<compile_context>
chip_gen: v7x
topology: tpu7x:2x2x1
jax: 0.10.2.dev20260603
libtpu: 0.0.44.dev20260713+nightly
codegen_flags: <defaults>
</compile_context>

<pallas_src>
import functools

import jax
import jax.numpy as jnp
from jax import lax
from jax.experimental import pallas as pl
from jax.experimental.pallas import tpu as pltpu
from jax.experimental.pallas import tpu_sc as plsc

VOCAB = 10
HIDDEN = 4096
PRE = 16
BATCH = 4
SEQ = 8192

NC = 2
NS = 16
NW = NC * NS
ROWS_PER_W = BATCH * SEQ // NW
L = 16
NCH = ROWS_PER_W // L
WPB = NW // BATCH


def _sc_embed(ids3, word_embeddings, prompt_embeddings):
    mesh = plsc.VectorSubcoreMesh(core_axis_name="c", subcore_axis_name="s")

    @functools.partial(
        pl.kernel,
        mesh=mesh,
        compiler_params=pltpu.CompilerParams(needs_layout_passes=False),
        out_type=jax.ShapeDtypeStruct((BATCH, PRE + SEQ, HIDDEN), jnp.float32),
        scratch_types=[
            pltpu.VMEM((NCH, L), jnp.int32),
            pltpu.VMEM((VOCAB, HIDDEN), jnp.float32),
            pltpu.VMEM((PRE // WPB, HIDDEN), jnp.float32),
            pltpu.SemaphoreType.DMA,
            pltpu.SemaphoreType.DMA,
        ],
    )
    def k(ids_hbm, we_hbm, pe_hbm, out_hbm, idx_v, tab_v, pe_v, sem, sp):
        wid = lax.axis_index("s") * NC + lax.axis_index("c")
        b = wid // WPB
        q = wid % WPB
        s0 = q * ROWS_PER_W
        pltpu.sync_copy(ids_hbm.at[wid], idx_v)
        pltpu.sync_copy(we_hbm, tab_v)
        PQ = PRE // WPB
        pltpu.sync_copy(pe_hbm.at[pl.ds(q * PQ, PQ)], pe_v)
        pltpu.make_async_copy(
            pe_v, out_hbm.at[b, pl.ds(q * PQ, PQ)], sp
        ).start()

        def body(c, carry):
            vec = idx_v[c]
            row0 = PRE + s0 + c * L
            for j in range(L):
                sid = vec[j]
                pltpu.make_async_copy(
                    tab_v.at[pl.ds(sid, 1)],
                    out_hbm.at[b, pl.ds(row0 + j, 1)],
                    sem,
                ).start()
            return carry

        lax.fori_loop(0, NCH, body, 0)
        pltpu.make_async_copy(
            out_hbm.at[b, pl.ds(PRE + s0, ROWS_PER_W)],
            out_hbm.at[b, pl.ds(PRE + s0, ROWS_PER_W)],
            sem,
        ).wait()
        pltpu.make_async_copy(
            pe_v, out_hbm.at[b, pl.ds(q * (PRE // WPB), PRE // WPB)], sp
        ).wait()

    return k(ids3, word_embeddings, prompt_embeddings)


@jax.jit
def kernel(input_ids, word_embeddings, prompt_embeddings):
    ids3 = input_ids.astype(jnp.int32).reshape(NW, NCH, L)
    return _sc_embed(ids3, word_embeddings, prompt_embeddings)

# --- scband reference (transcript-rebuilt; emitter-appended) ---
"""Pipeline reference for scband-dummy-model-26345329393722 (READ-ONLY COPY).

The authoritative reference and input builder live on the scoring server;
editing this copy changes nothing except your own understanding.
"""

import jax, jax.numpy as jnp
import numpy as np

VOCAB = 10
HIDDEN = 4096
PRE_SEQ_LEN = 16
BATCH = 4
SEQ_LEN = 8192


def setup_inputs(seed: int = 0) -> dict:
    key = jax.random.key(seed)
    k1, k2, k3 = jax.random.split(key, 3)
    input_ids = jax.random.randint(k1, (BATCH, SEQ_LEN), 0, VOCAB, dtype=jnp.int64 if jax.config.jax_enable_x64 else jnp.int32)
    word_embeddings = jax.random.normal(k2, (VOCAB, HIDDEN), dtype=jnp.float32) * 0.02
    prompt_embeddings = jax.random.normal(k3, (PRE_SEQ_LEN, HIDDEN), dtype=jnp.float32) * 0.02
    return {"input_ids": input_ids, "word_embeddings": word_embeddings, "prompt_embeddings": prompt_embeddings}


def reference(input_ids, word_embeddings, prompt_embeddings):
    # Faithful translation of DummyModel (PTuneMixin, tuning_mode='ptune'):
    # 1) get_prompt(batch_size): prefix_tokens = arange(pre_seq_len) expanded to batch,
    #    then prompt_embeddings lookup -> [B, pre_seq_len, H]
    # 2) word_embeddings(input_ids) -> [B, S, H]
    # 3) prompts are prepended to the input embeddings (as in petals forward with ptune)
    batch_size = input_ids.shape[0]
    prefix_tokens = jnp.arange(PRE_SEQ_LEN, dtype=jnp.int32)
    prefix_tokens = jnp.broadcast_to(prefix_tokens[None, :], (batch_size, PRE_SEQ_LEN))
    prompts = jnp.take(prompt_embeddings, prefix_tokens, axis=0)  # [B, pre_seq_len, H]
    inputs_embeds = jnp.take(word_embeddings, input_ids, axis=0)  # [B, S, H]
    out = jnp.concatenate([prompts, inputs_embeds], axis=1)  # [B, pre_seq_len + S, H]
    return out

if __name__ == "__main__":
    import jax
    _d = setup_inputs()
    print(jax.jit(kernel)(*tuple(_d.values())))

</pallas_src>

<mosaic_0001>
#map = affine_map<(d0, d1) -> (0, 0, 0)>
#map1 = affine_map<(d0, d1) -> (0, 0)>
module attributes {stable_mosaic.version = 14 : i64} {
  func.func @k(%arg0: i32, %arg1: i32, %arg2: memref<32x64x16xi32, #tpu.memory_space<hbm>>, %arg3: memref<10x4096xf32, #tpu.memory_space<hbm>>, %arg4: memref<16x4096xf32, #tpu.memory_space<hbm>>, %arg5: memref<4x8208x4096xf32, #tpu.memory_space<hbm>>, %arg6: memref<64x16xi32, #tpu.memory_space<vmem>>, %arg7: memref<10x4096xf32, #tpu.memory_space<vmem>>, %arg8: memref<2x4096xf32, #tpu.memory_space<vmem>>, %arg9: memref<!tpu.dma_semaphore, #tpu.memory_space<semaphore_mem>>, %arg10: memref<!tpu.dma_semaphore, #tpu.memory_space<semaphore_mem>>) attributes {dimension_semantics = [#tpu.dimension_semantics<core_parallel>, #tpu.dimension_semantics<subcore_parallel>], iteration_bounds = array<i64: 2, 16>, scalar_prefetch = 0 : i64, scratch_operands = 5 : i64, tpu.core_type = #tpu.core_type<sc_vector_subcore>, window_params = [{transform_indices = #map}, {transform_indices = #map1}, {transform_indices = #map1}, {transform_indices = #map}]} {
    %mul3A = arith.constant 2 : i32
    %mul3A_0 = arith.muli %arg1, %mul3A : i32
    %add3A = arith.addi %mul3A_0, %arg0 : i32
    %jit3A = arith.constant 8 : i32
    %div3A = arith.divsi %add3A, %jit3A : i32
    %sign3A = arith.constant 0 : i32
    %sign3A_1 = arith.cmpi sgt, %add3A, %sign3A : i32
    %sign3A_2 = arith.extui %sign3A_1 : i1 to i32
    %sign3A_3 = arith.constant 0 : i32
    %sign3A_4 = arith.cmpi slt, %add3A, %sign3A_3 : i32
    %sign3A_5 = arith.extui %sign3A_4 : i1 to i32
    %sign3A_6 = arith.subi %sign3A_2, %sign3A_5 : i32
    %sign3A_7 = arith.constant 0 : i32
    %sign3A_8 = arith.cmpi sgt, %jit3A, %sign3A_7 : i32
    %sign3A_9 = arith.extui %sign3A_8 : i1 to i32
    %sign3A_10 = arith.constant 0 : i32
    %sign3A_11 = arith.cmpi slt, %jit3A, %sign3A_10 : i32
    %sign3A_12 = arith.extui %sign3A_11 : i1 to i32
    %sign3A_13 = arith.subi %sign3A_9, %sign3A_12 : i32
    %ne3A = arith.cmpi ne, %sign3A_6, %sign3A_13 : i32
    %rem3A = arith.remsi %add3A, %jit3A : i32
    %ne3A_14 = arith.constant 0 : i32
    %ne3A_15 = arith.cmpi ne, %rem3A, %ne3A_14 : i32
    %and3A = arith.andi %ne3A, %ne3A_15 : i1
    %sub3A = arith.constant 1 : i32
    %sub3A_16 = arith.subi %div3A, %sub3A : i32
    %select_n3A = arith.select %and3A, %sub3A_16, %div3A : i32
    %jit3A_17 = arith.constant 8 : i32
    %eq3A = arith.constant 0 : i32
    %eq3A_18 = arith.cmpi eq, %jit3A_17, %eq3A : i32
    %jit3A_19 = arith.constant 1 : i32
    %select_n3A_20 = arith.select %eq3A_18, %jit3A_19, %jit3A_17 : i32
    %rem3A_21 = arith.remsi %add3A, %select_n3A_20 : i32
    %ne3A_22 = arith.constant 0 : i32
    %ne3A_23 = arith.cmpi ne, %rem3A_21, %ne3A_22 : i32
    %lt3A = arith.constant 0 : i32
    %lt3A_24 = arith.cmpi slt, %rem3A_21, %lt3A : i32
    %lt3A_25 = arith.constant 0 : i32
    %lt3A_26 = arith.cmpi slt, %select_n3A_20, %lt3A_25 : i32
    %ne3A_27 = arith.xori %lt3A_24, %lt3A_26 : i1
    %and3A_28 = arith.andi %ne3A_27, %ne3A_23 : i1
    %add3A_29 = arith.addi %rem3A_21, %select_n3A_20 : i32
    %select_n3A_30 = arith.select %and3A_28, %add3A_29, %rem3A_21 : i32
    %mul3A_31 = arith.constant 1024 : i32
    %mul3A_32 = arith.muli %select_n3A_30, %mul3A_31 : i32
    "tpu.region"() ({
      %run_scoped3A = tpu.sem_alloc : memref<!tpu.dma_semaphore, #tpu.memory_space<semaphore_mem>>
      %dma_start3A_64 = arith.constant 0 : i32
      %dma_start3A_65 = arith.constant 0 : i32
      %dma_start3A_66 = tpu.memref_slice %arg2[%add3A, %dma_start3A_64, %dma_start3A_65] : memref<32x64x16xi32, #tpu.memory_space<hbm>> -> memref<1x64x16xi32, #tpu.memory_space<hbm>>
      %dma_start3A_67 = tpu.memref_squeeze %dma_start3A_66 : memref<1x64x16xi32, #tpu.memory_space<hbm>> -> memref<64x16xi32, #tpu.memory_space<hbm>>
      %dma_start3A_68 = arith.constant 0 : i32
      %dma_start3A_69 = arith.constant 0 : i32
      %dma_start3A_70 = tpu.memref_slice %arg2[%add3A, %dma_start3A_68, %dma_start3A_69] : memref<32x64x16xi32, #tpu.memory_space<hbm>> -> memref<1x64x16xi32, #tpu.memory_space<hbm>>
      %dma_start3A_71 = tpu.memref_squeeze %dma_start3A_70 : memref<1x64x16xi32, #tpu.memory_space<hbm>> -> memref<64x16xi32, #tpu.memory_space<hbm>>
      tpu.enqueue_dma source(%dma_start3A_71 : memref<64x16xi32, #tpu.memory_space<hbm>>) target(%arg6 : memref<64x16xi32, #tpu.memory_space<vmem>>) target_semaphore(%run_scoped3A : memref<!tpu.dma_semaphore, #tpu.memory_space<semaphore_mem>>)
      %dma_wait3A_72 = arith.constant 0 : i32
      %dma_wait3A_73 = arith.constant 0 : i32
      %dma_wait3A_74 = tpu.memref_slice %arg2[%add3A, %dma_wait3A_72, %dma_wait3A_73] : memref<32x64x16xi32, #tpu.memory_space<hbm>> -> memref<1x64x16xi32, #tpu.memory_space<hbm>>
      %dma_wait3A_75 = tpu.memref_squeeze %dma_wait3A_74 : memref<1x64x16xi32, #tpu.memory_space<hbm>> -> memref<64x16xi32, #tpu.memory_space<hbm>>
      %dma_wait3A_76 = arith.constant 0 : i32
      %dma_wait3A_77 = arith.constant 0 : i32
      %dma_wait3A_78 = tpu.memref_slice %arg2[%add3A, %dma_wait3A_76, %dma_wait3A_77] : memref<32x64x16xi32, #tpu.memory_space<hbm>> -> memref<1x64x16xi32, #tpu.memory_space<hbm>>
      %dma_wait3A_79 = tpu.memref_squeeze %dma_wait3A_78 : memref<1x64x16xi32, #tpu.memory_space<hbm>> -> memref<64x16xi32, #tpu.memory_space<hbm>>
      tpu.wait_dma2 semaphore(%run_scoped3A : memref<!tpu.dma_semaphore, #tpu.memory_space<semaphore_mem>>) src(%dma_wait3A_79 : memref<64x16xi32, #tpu.memory_space<hbm>>) dst(%arg6 : memref<64x16xi32, #tpu.memory_space<vmem>>)
      tpu.yield
    }) : () -> ()
    "tpu.region"() ({
      %run_scoped3A = tpu.sem_alloc : memref<!tpu.dma_semaphore, #tpu.memory_space<semaphore_mem>>
      tpu.enqueue_dma source(%arg3 : memref<10x4096xf32, #tpu.memory_space<hbm>>) target(%arg7 : memref<10x4096xf32, #tpu.memory_space<vmem>>) target_semaphore(%run_scoped3A : memref<!tpu.dma_semaphore, #tpu.memory_space<semaphore_mem>>)
      tpu.wait_dma2 semaphore(%run_scoped3A : memref<!tpu.dma_semaphore, #tpu.memory_space<semaphore_mem>>) src(%arg3 : memref<10x4096xf32, #tpu.memory_space<hbm>>) dst(%arg7 : memref<10x4096xf32, #tpu.memory_space<vmem>>)
      tpu.yield
    }) : () -> ()
    %mul3A_33 = arith.constant 2 : i32
    %mul3A_34 = arith.muli %select_n3A_30, %mul3A_33 : i32
    "tpu.region"() ({
      %run_scoped3A = tpu.sem_alloc : memref<!tpu.dma_semaphore, #tpu.memory_space<semaphore_mem>>
      %dma_start3A_64 = arith.constant 0 : i32
      %dma_start3A_65 = tpu.memref_slice %arg4[%mul3A_34, %dma_start3A_64] : memref<16x4096xf32, #tpu.memory_space<hbm>> -> memref<2x4096xf32, #tpu.memory_space<hbm>>
      %dma_start3A_66 = arith.constant 0 : i32
      %dma_start3A_67 = tpu.memref_slice %arg4[%mul3A_34, %dma_start3A_66] : memref<16x4096xf32, #tpu.memory_space<hbm>> -> memref<2x4096xf32, #tpu.memory_space<hbm>>
      tpu.enqueue_dma source(%dma_start3A_67 : memref<2x4096xf32, #tpu.memory_space<hbm>>) target(%arg8 : memref<2x4096xf32, #tpu.memory_space<vmem>>) target_semaphore(%run_scoped3A : memref<!tpu.dma_semaphore, #tpu.memory_space<semaphore_mem>>)
      %dma_wait3A_68 = arith.constant 0 : i32
      %dma_wait3A_69 = tpu.memref_slice %arg4[%mul3A_34, %dma_wait3A_68] : memref<16x4096xf32, #tpu.memory_space<hbm>> -> memref<2x4096xf32, #tpu.memory_space<hbm>>
      %dma_wait3A_70 = arith.constant 0 : i32
      %dma_wait3A_71 = tpu.memref_slice %arg4[%mul3A_34, %dma_wait3A_70] : memref<16x4096xf32, #tpu.memory_space<hbm>> -> memref<2x4096xf32, #tpu.memory_space<hbm>>
      tpu.wait_dma2 semaphore(%run_scoped3A : memref<!tpu.dma_semaphore, #tpu.memory_space<semaphore_mem>>) src(%dma_wait3A_71 : memref<2x4096xf32, #tpu.memory_space<hbm>>) dst(%arg8 : memref<2x4096xf32, #tpu.memory_space<vmem>>)
      tpu.yield
    }) : () -> ()
    %mul3A_35 = arith.constant 2 : i32
    %mul3A_36 = arith.muli %select_n3A_30, %mul3A_35 : i32
    %dma_start3A = arith.constant 0 : i32
    %dma_start3A_37 = tpu.memref_slice %arg5[%select_n3A, %mul3A_36, %dma_start3A] : memref<4x8208x4096xf32, #tpu.memory_space<hbm>> -> memref<1x2x4096xf32, #tpu.memory_space<hbm>>
    %dma_start3A_38 = tpu.memref_squeeze %dma_start3A_37 : memref<1x2x4096xf32, #tpu.memory_space<hbm>> -> memref<2x4096xf32, #tpu.memory_space<hbm>>
    %dma_start3A_39 = arith.constant 0 : i32
    %dma_start3A_40 = tpu.memref_slice %arg5[%select_n3A, %mul3A_36, %dma_start3A_39] : memref<4x8208x4096xf32, #tpu.memory_space<hbm>> -> memref<1x2x4096xf32, #tpu.memory_space<hbm>>
    %dma_start3A_41 = tpu.memref_squeeze %dma_start3A_40 : memref<1x2x4096xf32, #tpu.memory_space<hbm>> -> memref<2x4096xf32, #tpu.memory_space<hbm>>
    tpu.enqueue_dma source(%arg8 : memref<2x4096xf32, #tpu.memory_space<vmem>>) target(%dma_start3A_41 : memref<2x4096xf32, #tpu.memory_space<hbm>>) target_semaphore(%arg10 : memref<!tpu.dma_semaphore, #tpu.memory_space<semaphore_mem>>)
    %scan3A = arith.constant 0 : i32
    %scan3A_42 = arith.constant 0 : i32
    %scan3A_43 = arith.constant 64 : i32
    %scan3A_44 = arith.addi %scan3A_42, %scan3A_43 : i32
    %scan3A_45 = arith.constant 1 : i32
    scf.for %scan3A_64 = %scan3A_42 to %scan3A_44 step %scan3A_45  : i32 {
      %get3A = arith.index_cast %scan3A_64 : i32 to index
      %get3A_65 = arith.constant 0 : index
      %get3A_66 = tpu.vector_load %arg6[%get3A, %get3A_65] {strides = array<i32>} : memref<64x16xi32, #tpu.memory_space<vmem>>, vector<16xi32>,
      %add3A_67 = arith.constant 16 : i32
      %add3A_68 = arith.addi %add3A_67, %mul3A_32 : i32
      %mul3A_69 = arith.constant 16 : i32
      %mul3A_70 = arith.muli %scan3A_64, %mul3A_69 : i32
      %add3A_71 = arith.addi %add3A_68, %mul3A_70 : i32
      %slice3A = vector.extract_strided_slice %get3A_66 {offsets = [0], sizes = [1], strides = [1]} : vector<16xi32> to vector<1xi32>
      %squeeze3A = vector.extract %slice3A[0] : i32 from vector<1xi32>
      %add3A_72 = arith.constant 0 : i32
      %add3A_73 = arith.addi %add3A_71, %add3A_72 : i32
      %dma_start3A_74 = arith.constant 0 : i32
      %dma_start3A_75 = tpu.memref_slice %arg7[%squeeze3A, %dma_start3A_74] : memref<10x4096xf32, #tpu.memory_space<vmem>> -> memref<1x4096xf32, #tpu.memory_space<vmem>>
      %dma_start3A_76 = arith.constant 0 : i32
      %dma_start3A_77 = tpu.memref_slice %arg5[%select_n3A, %add3A_73, %dma_start3A_76] : memref<4x8208x4096xf32, #tpu.memory_space<hbm>> -> memref<1x1x4096xf32, #tpu.memory_space<hbm>>
      %dma_start3A_78 = tpu.memref_squeeze %dma_start3A_77 : memref<1x1x4096xf32, #tpu.memory_space<hbm>> -> memref<1x4096xf32, #tpu.memory_space<hbm>>
      %dma_start3A_79 = arith.constant 0 : i32
      %dma_start3A_80 = tpu.memref_slice %arg5[%select_n3A, %add3A_73, %dma_start3A_79] : memref<4x8208x4096xf32, #tpu.memory_space<hbm>> -> memref<1x1x4096xf32, #tpu.memory_space<hbm>>
      %dma_start3A_81 = tpu.memref_squeeze %dma_start3A_80 : memref<1x1x4096xf32, #tpu.memory_space<hbm>> -> memref<1x4096xf32, #tpu.memory_space<hbm>>
      %dma_start3A_82 = arith.constant 0 : i32
      %dma_start3A_83 = tpu.memref_slice %arg7[%squeeze3A, %dma_start3A_82] : memref<10x4096xf32, #tpu.memory_space<vmem>> -> memref<1x4096xf32, #tpu.memory_space<vmem>>
      tpu.enqueue_dma source(%dma_start3A_83 : memref<1x4096xf32, #tpu.memory_space<vmem>>) target(%dma_start3A_81 : memref<1x4096xf32, #tpu.memory_space<hbm>>) target_semaphore(%arg9 : memref<!tpu.dma_semaphore, #tpu.memory_space<semaphore_mem>>)
      %slice3A_84 = vector.extract_strided_slice %get3A_66 {offsets = [1], sizes = [1], strides = [1]} : vector<16xi32> to vector<1xi32>
      %squeeze3A_85 = vector.extract %slice3A_84[0] : i32 from vector<1xi32>
      %add3A_86 = arith.constant 1 : i32
      %add3A_87 = arith.addi %add3A_71, %add3A_86 : i32
      %dma_start3A_88 = arith.constant 0 : i32
      %dma_start3A_89 = tpu.memref_slice %arg7[%squeeze3A_85, %dma_start3A_88] : memref<10x4096xf32, #tpu.memory_space<vmem>> -> memref<1x4096xf32, #tpu.memory_space<vmem>>
      %dma_start3A_90 = arith.constant 0 : i32
      %dma_start3A_91 = tpu.memref_slice %arg5[%select_n3A, %add3A_87, %dma_start3A_90] : memref<4x8208x4096xf32, #tpu.memory_space<hbm>> -> memref<1x1x4096xf32, #tpu.memory_space<hbm>>
      %dma_start3A_92 = tpu.memref_squeeze %dma_start3A_91 : memref<1x1x4096xf32, #tpu.memory_space<hbm>> -> memref<1x4096xf32, #tpu.memory_space<hbm>>
      %dma_start3A_93 = arith.constant 0 : i32
      %dma_start3A_94 = tpu.memref_slice %arg5[%select_n3A, %add3A_87, %dma_start3A_93] : memref<4x8208x4096xf32, #tpu.memory_space<hbm>> -> memref<1x1x4096xf32, #tpu.memory_space<hbm>>
      %dma_start3A_95 = tpu.memref_squeeze %dma_start3A_94 : memref<1x1x4096xf32, #tpu.memory_space<hbm>> -> memref<1x4096xf32, #tpu.memory_space<hbm>>
      %dma_start3A_96 = arith.constant 0 : i32
      %dma_start3A_97 = tpu.memref_slice %arg7[%squeeze3A_85, %dma_start3A_96] : memref<10x4096xf32, #tpu.memory_space<vmem>> -> memref<1x4096xf32, #tpu.memory_space<vmem>>
      tpu.enqueue_dma source(%dma_start3A_97 : memref<1x4096xf32, #tpu.memory_space<vmem>>) target(%dma_start3A_95 : memref<1x4096xf32, #tpu.memory_space<hbm>>) target_semaphore(%arg9 : memref<!tpu.dma_semaphore, #tpu.memory_space<semaphore_mem>>)
      %slice3A_98 = vector.extract_strided_slice %get3A_66 {offsets = [2], sizes = [1], strides = [1]} : vector<16xi32> to vector<1xi32>
      %squeeze3A_99 = vector.extract %slice3A_98[0] : i32 from vector<1xi32>
      %add3A_100 = arith.constant 2 : i32
      %add3A_101 = arith.addi %add3A_71, %add3A_100 : i32
      %dma_start3A_102 = arith.constant 0 : i32
      %dma_start3A_103 = tpu.memref_slice %arg7[%squeeze3A_99, %dma_start3A_102] : memref<10x4096xf32, #tpu.memory_space<vmem>> -> memref<1x4096xf32, #tpu.memory_space<vmem>>
      %dma_start3A_104 = arith.constant 0 : i32
      %dma_start3A_105 = tpu.memref_slice %arg5[%select_n3A, %add3A_101, %dma_start3A_104] : memref<4x8208x4096xf32, #tpu.memory_space<hbm>> -> memref<1x1x4096xf32, #tpu.memory_space<hbm>>
      %dma_start3A_106 = tpu.memref_squeeze %dma_start3A_105 : memref<1x1x4096xf32, #tpu.memory_space<hbm>> -> memref<1x4096xf32, #tpu.memory_space<hbm>>
      %dma_start3A_107 = arith.constant 0 : i32
      %dma_start3A_108 = tpu.memref_slice %arg5[%select_n3A, %add3A_101, %dma_start3A_107] : memref<4x8208x4096xf32, #tpu.memory_space<hbm>> -> memref<1x1x4096xf32, #tpu.memory_space<hbm>>
      %dma_start3A_109 = tpu.memref_squeeze %dma_start3A_108 : memref<1x1x4096xf32, #tpu.memory_space<hbm>> -> memref<1x4096xf32, #tpu.memory_space<hbm>>
      %dma_start3A_110 = arith.constant 0 : i32
      %dma_start3A_111 = tpu.memref_slice %arg7[%squeeze3A_99, %dma_start3A_110] : memref<10x4096xf32, #tpu.memory_space<vmem>> -> memref<1x4096xf32, #tpu.memory_space<vmem>>
      tpu.enqueue_dma source(%dma_start3A_111 : memref<1x4096xf32, #tpu.memory_space<vmem>>) target(%dma_start3A_109 : memref<1x4096xf32, #tpu.memory_space<hbm>>) target_semaphore(%arg9 : memref<!tpu.dma_semaphore, #tpu.memory_space<semaphore_mem>>)
      %slice3A_112 = vector.extract_strided_slice %get3A_66 {offsets = [3], sizes = [1], strides = [1]} : vector<16xi32> to vector<1xi32>
      %squeeze3A_113 = vector.extract %slice3A_112[0] : i32 from vector<1xi32>
      %add3A_114 = arith.constant 3 : i32
      %add3A_115 = arith.addi %add3A_71, %add3A_114 : i32
      %dma_start3A_116 = arith.constant 0 : i32
      %dma_start3A_117 = tpu.memref_slice %arg7[%squeeze3A_113, %dma_start3A_116] : memref<10x4096xf32, #tpu.memory_space<vmem>> -> memref<1x4096xf32, #tpu.memory_space<vmem>>
      %dma_start3A_118 = arith.constant 0 : i32
      %dma_start3A_119 = tpu.memref_slice %arg5[%select_n3A, %add3A_115, %dma_start3A_118] : memref<4x8208x4096xf32, #tpu.memory_space<hbm>> -> memref<1x1x4096xf32, #tpu.memory_space<hbm>>
      %dma_start3A_120 = tpu.memref_squeeze %dma_start3A_119 : memref<1x1x4096xf32, #tpu.memory_space<hbm>> -> memref<1x4096xf32, #tpu.memory_space<hbm>>
      %dma_start3A_121 = arith.constant 0 : i32
      %dma_start3A_122 = tpu.memref_slice %arg5[%select_n3A, %add3A_115, %dma_start3A_121] : memref<4x8208x4096xf32, #tpu.memory_space<hbm>> -> memref<1x1x4096xf32, #tpu.memory_space<hbm>>
      %dma_start3A_123 = tpu.memref_squeeze %dma_start3A_122 : memref<1x1x4096xf32, #tpu.memory_space<hbm>> -> memref<1x4096xf32, #tpu.memory_space<hbm>>
      %dma_start3A_124 = arith.constant 0 : i32
      %dma_start3A_125 = tpu.memref_slice %arg7[%squeeze3A_113, %dma_start3A_124] : memref<10x4096xf32, #tpu.memory_space<vmem>> -> memref<1x4096xf32, #tpu.memory_space<vmem>>
      tpu.enqueue_dma source(%dma_start3A_125 : memref<1x4096xf32, #tpu.memory_space<vmem>>) target(%dma_start3A_123 : memref<1x4096xf32, #tpu.memory_space<hbm>>) target_semaphore(%arg9 : memref<!tpu.dma_semaphore, #tpu.memory_space<semaphore_mem>>)
      %slice3A_126 = vector.extract_strided_slice %get3A_66 {offsets = [4], sizes = [1], strides = [1]} : vector<16xi32> to vector<1xi32>
      %squeeze3A_127 = vector.extract %slice3A_126[0] : i32 from vector<1xi32>
      %add3A_128 = arith.constant 4 : i32
      %add3A_129 = arith.addi %add3A_71, %add3A_128 : i32
      %dma_start3A_130 = arith.constant 0 : i32
      %dma_start3A_131 = tpu.memref_slice %arg7[%squeeze3A_127, %dma_start3A_130] : memref<10x4096xf32, #tpu.memory_space<vmem>> -> memref<1x4096xf32, #tpu.memory_space<vmem>>
      %dma_start3A_132 = arith.constant 0 : i32
      %dma_start3A_133 = tpu.memref_slice %arg5[%select_n3A, %add3A_129, %dma_start3A_132] : memref<4x8208x4096xf32, #tpu.memory_space<hbm>> -> memref<1x1x4096xf32, #tpu.memory_space<hbm>>
      %dma_start3A_134 = tpu.memref_squeeze %dma_start3A_133 : memref<1x1x4096xf32, #tpu.memory_space<hbm>> -> memref<1x4096xf32, #tpu.memory_space<hbm>>
      %dma_start3A_135 = arith.constant 0 : i32
      %dma_start3A_136 = tpu.memref_slice %arg5[%select_n3A, %add3A_129, %dma_start3A_135] : memref<4x8208x4096xf32, #tpu.memory_space<hbm>> -> memref<1x1x4096xf32, #tpu.memory_space<hbm>>
      %dma_start3A_137 = tpu.memref_squeeze %dma_start3A_136 : memref<1x1x4096xf32, #tpu.memory_space<hbm>> -> memref<1x4096xf32, #tpu.memory_space<hbm>>
      %dma_start3A_138 = arith.constant 0 : i32
      %dma_start3A_139 = tpu.memref_slice %arg7[%squeeze3A_127, %dma_start3A_138] : memref<10x4096xf32, #tpu.memory_space<vmem>> -> memref<1x4096xf32, #tpu.memory_space<vmem>>
      tpu.enqueue_dma source(%dma_start3A_139 : memref<1x4096xf32, #tpu.memory_space<vmem>>) target(%dma_start3A_137 : memref<1x4096xf32, #tpu.memory_space<hbm>>) target_semaphore(%arg9 : memref<!tpu.dma_semaphore, #tpu.memory_space<semaphore_mem>>)
      %slice3A_140 = vector.extract_strided_slice %get3A_66 {offsets = [5], sizes = [1], strides = [1]} : vector<16xi32> to vector<1xi32>
      %squeeze3A_141 = vector.extract %slice3A_140[0] : i32 from vector<1xi32>
      %add3A_142 = arith.constant 5 : i32
      %add3A_143 = arith.addi %add3A_71, %add3A_142 : i32
      %dma_start3A_144 = arith.constant 0 : i32
      %dma_start3A_145 = tpu.memref_slice %arg7[%squeeze3A_141, %dma_start3A_144] : memref<10x4096xf32, #tpu.memory_space<vmem>> -> memref<1x4096xf32, #tpu.memory_space<vmem>>
      %dma_start3A_146 = arith.constant 0 : i32
      %dma_start3A_147 = tpu.memref_slice %arg5[%select_n3A, %add3A_143, %dma_start3A_146] : memref<4x8208x4096xf32, #tpu.memory_space<hbm>> -> memref<1x1x4096xf32, #tpu.memory_space<hbm>>
      %dma_start3A_148 = tpu.memref_squeeze %dma_start3A_147 : memref<1x1x4096xf32, #tpu.memory_space<hbm>> -> memref<1x4096xf32, #tpu.memory_space<hbm>>
      %dma_start3A_149 = arith.constant 0 : i32
      %dma_start3A_150 = tpu.memref_slice %arg5[%select_n3A, %add3A_143, %dma_start3A_149] : memref<4x8208x4096xf32, #tpu.memory_space<hbm>> -> memref<1x1x4096xf32, #tpu.memory_space<hbm>>
      %dma_start3A_151 = tpu.memref_squeeze %dma_start3A_150 : memref<1x1x4096xf32, #tpu.memory_space<hbm>> -> memref<1x4096xf32, #tpu.memory_space<hbm>>
      %dma_start3A_152 = arith.constant 0 : i32
      %dma_start3A_153 = tpu.memref_slice %arg7[%squeeze3A_141, %dma_start3A_152] : memref<10x4096xf32, #tpu.memory_space<vmem>> -> memref<1x4096xf32, #tpu.memory_space<vmem>>
      tpu.enqueue_dma source(%dma_start3A_153 : memref<1x4096xf32, #tpu.memory_space<vmem>>) target(%dma_start3A_151 : memref<1x4096xf32, #tpu.memory_space<hbm>>) target_semaphore(%arg9 : memref<!tpu.dma_semaphore, #tpu.memory_space<semaphore_mem>>)
      %slice3A_154 = vector.extract_strided_slice %get3A_66 {offsets = [6], sizes = [1], strides = [1]} : vector<16xi32> to vector<1xi32>
      %squeeze3A_155 = vector.extract %slice3A_154[0] : i32 from vector<1xi32>
      %add3A_156 = arith.constant 6 : i32
      %add3A_157 = arith.addi %add3A_71, %add3A_156 : i32
      %dma_start3A_158 = arith.constant 0 : i32
      %dma_start3A_159 = tpu.memref_slice %arg7[%squeeze3A_155, %dma_start3A_158] : memref<10x4096xf32, #tpu.memory_space<vmem>> -> memref<1x4096xf32, #tpu.memory_space<vmem>>
      %dma_start3A_160 = arith.constant 0 : i32
      %dma_start3A_161 = tpu.memref_slice %arg5[%select_n3A, %add3A_157, %dma_start3A_160] : memref<4x8208x4096xf32, #tpu.memory_space<hbm>> -> memref<1x1x4096xf32, #tpu.memory_space<hbm>>
      %dma_start3A_162 = tpu.memref_squeeze %dma_start3A_161 : memref<1x1x4096xf32, #tpu.memory_space<hbm>> -> memref<1x4096xf32, #tpu.memory_space<hbm>>
      %dma_start3A_163 = arith.constant 0 : i32
      %dma_start3A_164 = tpu.memref_slice %arg5[%select_n3A, %add3A_157, %dma_start3A_163] : memref<4x8208x4096xf32, #tpu.memory_space<hbm>> -> memref<1x1x4096xf32, #tpu.memory_space<hbm>>
      %dma_start3A_165 = tpu.memref_squeeze %dma_start3A_164 : memref<1x1x4096xf32, #tpu.memory_space<hbm>> -> memref<1x4096xf32, #tpu.memory_space<hbm>>
      %dma_start3A_166 = arith.constant 0 : i32
      %dma_start3A_167 = tpu.memref_slice %arg7[%squeeze3A_155, %dma_start3A_166] : memref<10x4096xf32, #tpu.memory_space<vmem>> -> memref<1x4096xf32, #tpu.memory_space<vmem>>
      tpu.enqueue_dma source(%dma_start3A_167 : memref<1x4096xf32, #tpu.memory_space<vmem>>) target(%dma_start3A_165 : memref<1x4096xf32, #tpu.memory_space<hbm>>) target_semaphore(%arg9 : memref<!tpu.dma_semaphore, #tpu.memory_space<semaphore_mem>>)
      %slice3A_168 = vector.extract_strided_slice %get3A_66 {offsets = [7], sizes = [1], strides = [1]} : vector<16xi32> to vector<1xi32>
      %squeeze3A_169 = vector.extract %slice3A_168[0] : i32 from vector<1xi32>
      %add3A_170 = arith.constant 7 : i32
      %add3A_171 = arith.addi %add3A_71, %add3A_170 : i32
      %dma_start3A_172 = arith.constant 0 : i32
      %dma_start3A_173 = tpu.memref_slice %arg7[%squeeze3A_169, %dma_start3A_172] : memref<10x4096xf32, #tpu.memory_space<vmem>> -> memref<1x4096xf32, #tpu.memory_space<vmem>>
      %dma_start3A_174 = arith.constant 0 : i32
      %dma_start3A_175 = tpu.memref_slice %arg5[%select_n3A, %add3A_171, %dma_start3A_174] : memref<4x8208x4096xf32, #tpu.memory_space<hbm>> -> memref<1x1x4096xf32, #tpu.memory_space<hbm>>
      %dma_start3A_176 = tpu.memref_squeeze %dma_start3A_175 : memref<1x1x4096xf32, #tpu.memory_space<hbm>> -> memref<1x4096xf32, #tpu.memory_space<hbm>>
      %dma_start3A_177 = arith.constant 0 : i32
      %dma_start3A_178 = tpu.memref_slice %arg5[%select_n3A, %add3A_171, %dma_start3A_177] : memref<4x8208x4096xf32, #tpu.memory_space<hbm>> -> memref<1x1x4096xf32, #tpu.memory_space<hbm>>
      %dma_start3A_179 = tpu.memref_squeeze %dma_start3A_178 : memref<1x1x4096xf32, #tpu.memory_space<hbm>> -> memref<1x4096xf32, #tpu.memory_space<hbm>>
      %dma_start3A_180 = arith.constant 0 : i32
      %dma_start3A_181 = tpu.memref_slice %arg7[%squeeze3A_169, %dma_start3A_180] : memref<10x4096xf32, #tpu.memory_space<vmem>> -> memref<1x4096xf32, #tpu.memory_space<vmem>>
      tpu.enqueue_dma source(%dma_start3A_181 : memref<1x4096xf32, #tpu.memory_space<vmem>>) target(%dma_start3A_179 : memref<1x4096xf32, #tpu.memory_space<hbm>>) target_semaphore(%arg9 : memref<!tpu.dma_semaphore, #tpu.memory_space<semaphore_mem>>)
      %slice3A_182 = vector.extract_strided_slice %get3A_66 {offsets = [8], sizes = [1], strides = [1]} : vector<16xi32> to vector<1xi32>
      %squeeze3A_183 = vector.extract %slice3A_182[0] : i32 from vector<1xi32>
      %add3A_184 = arith.constant 8 : i32
      %add3A_185 = arith.addi %add3A_71, %add3A_184 : i32
      %dma_start3A_186 = arith.constant 0 : i32
      %dma_start3A_187 = tpu.memref_slice %arg7[%squeeze3A_183, %dma_start3A_186] : memref<10x4096xf32, #tpu.memory_space<vmem>> -> memref<1x4096xf32, #tpu.memory_space<vmem>>
      %dma_start3A_188 = arith.constant 0 : i32
      %dma_start3A_189 = tpu.memref_slice %arg5[%select_n3A, %add3A_185, %dma_start3A_188] : memref<4x8208x4096xf32, #tpu.memory_space<hbm>> -> memref<1x1x4096xf32, #tpu.memory_space<hbm>>
      %dma_start3A_190 = tpu.memref_squeeze %dma_start3A_189 : memref<1x1x4096xf32, #tpu.memory_space<hbm>> -> memref<1x4096xf32, #tpu.memory_space<hbm>>
      %dma_start3A_191 = arith.constant 0 : i32
      %dma_start3A_192 = tpu.memref_slice %arg5[%select_n3A, %add3A_185, %dma_start3A_191] : memref<4x8208x4096xf32, #tpu.memory_space<hbm>> -> memref<1x1x4096xf32, #tpu.memory_space<hbm>>
      %dma_start3A_193 = tpu.memref_squeeze %dma_start3A_192 : memref<1x1x4096xf32, #tpu.memory_space<hbm>> -> memref<1x4096xf32, #tpu.memory_space<hbm>>
      %dma_start3A_194 = arith.constant 0 : i32
      %dma_start3A_195 = tpu.memref_slice %arg7[%squeeze3A_183, %dma_start3A_194] : memref<10x4096xf32, #tpu.memory_space<vmem>> -> memref<1x4096xf32, #tpu.memory_space<vmem>>
      tpu.enqueue_dma source(%dma_start3A_195 : memref<1x4096xf32, #tpu.memory_space<vmem>>) target(%dma_start3A_193 : memref<1x4096xf32, #tpu.memory_space<hbm>>) target_semaphore(%arg9 : memref<!tpu.dma_semaphore, #tpu.memory_space<semaphore_mem>>)
      %slice3A_196 = vector.extract_strided_slice %get3A_66 {offsets = [9], sizes = [1], strides = [1]} : vector<16xi32> to vector<1xi32>
      %squeeze3A_197 = vector.extract %slice3A_196[0] : i32 from vector<1xi32>
      %add3A_198 = arith.constant 9 : i32
      %add3A_199 = arith.addi %add3A_71, %add3A_198 : i32
      %dma_start3A_200 = arith.constant 0 : i32
      %dma_start3A_201 = tpu.memref_slice %arg7[%squeeze3A_197, %dma_start3A_200] : memref<10x4096xf32, #tpu.memory_space<vmem>> -> memref<1x4096xf32, #tpu.memory_space<vmem>>
      %dma_start3A_202 = arith.constant 0 : i32
      %dma_start3A_203 = tpu.memref_slice %arg5[%select_n3A, %add3A_199, %dma_start3A_202] : memref<4x8208x4096xf32, #tpu.memory_space<hbm>> -> memref<1x1x4096xf32, #tpu.memory_space<hbm>>
      %dma_start3A_204 = tpu.memref_squeeze %dma_start3A_203 : memref<1x1x4096xf32, #tpu.memory_space<hbm>> -> memref<1x4096xf32, #tpu.memory_space<hbm>>
      %dma_start3A_205 = arith.constant 0 : i32
      %dma_start3A_206 = tpu.memref_slice %arg5[%select_n3A, %add3A_199, %dma_start3A_205] : memref<4x8208x4096xf32, #tpu.memory_space<hbm>> -> memref<1x1x4096xf32, #tpu.memory_space<hbm>>
      %dma_start3A_207 = tpu.memref_squeeze %dma_start3A_206 : memref<1x1x4096xf32, #tpu.memory_space<hbm>> -> memref<1x4096xf32, #tpu.memory_space<hbm>>
      %dma_start3A_208 = arith.constant 0 : i32
      %dma_start3A_209 = tpu.memref_slice %arg7[%squeeze3A_197, %dma_start3A_208] : memref<10x4096xf32, #tpu.memory_space<vmem>> -> memref<1x4096xf32, #tpu.memory_space<vmem>>
      tpu.enqueue_dma source(%dma_start3A_209 : memref<1x4096xf32, #tpu.memory_space<vmem>>) target(%dma_start3A_207 : memref<1x4096xf32, #tpu.memory_space<hbm>>) target_semaphore(%arg9 : memref<!tpu.dma_semaphore, #tpu.memory_space<semaphore_mem>>)
      %slice3A_210 = vector.extract_strided_slice %get3A_66 {offsets = [10], sizes = [1], strides = [1]} : vector<16xi32> to vector<1xi32>
      %squeeze3A_211 = vector.extract %slice3A_210[0] : i32 from vector<1xi32>
      %add3A_212 = arith.constant 10 : i32
      %add3A_213 = arith.addi %add3A_71, %add3A_212 : i32
      %dma_start3A_214 = arith.constant 0 : i32
      %dma_start3A_215 = tpu.memref_slice %arg7[%squeeze3A_211, %dma_start3A_214] : memref<10x4096xf32, #tpu.memory_space<vmem>> -> memref<1x4096xf32, #tpu.memory_space<vmem>>
      %dma_start3A_216 = arith.constant 0 : i32
      %dma_start3A_217 = tpu.memref_slice %arg5[%select_n3A, %add3A_213, %dma_start3A_216] : memref<4x8208x4096xf32, #tpu.memory_space<hbm>> -> memref<1x1x4096xf32, #tpu.memory_space<hbm>>
      %dma_start3A_218 = tpu.memref_squeeze %dma_start3A_217 : memref<1x1x4096xf32, #tpu.memory_space<hbm>> -> memref<1x4096xf32, #tpu.memory_space<hbm>>
      %dma_start3A_219 = arith.constant 0 : i32
      %dma_start3A_220 = tpu.memref_slice %arg5[%select_n3A, %add3A_213, %dma_start3A_219] : memref<4x8208x4096xf32, #tpu.memory_space<hbm>> -> memref<1x1x4096xf32, #tpu.memory_space<hbm>>
      %dma_start3A_221 = tpu.memref_squeeze %dma_start3A_220 : memref<1x1x4096xf32, #tpu.memory_space<hbm>> -> memref<1x4096xf32, #tpu.memory_space<hbm>>
      %dma_start3A_222 = arith.constant 0 : i32
      %dma_start3A_223 = tpu.memref_slice %arg7[%squeeze3A_211, %dma_start3A_222] : memref<10x4096xf32, #tpu.memory_space<vmem>> -> memref<1x4096xf32, #tpu.memory_space<vmem>>
      tpu.enqueue_dma source(%dma_start3A_223 : memref<1x4096xf32, #tpu.memory_space<vmem>>) target(%dma_start3A_221 : memref<1x4096xf32, #tpu.memory_space<hbm>>) target_semaphore(%arg9 : memref<!tpu.dma_semaphore, #tpu.memory_space<semaphore_mem>>)
      %slice3A_224 = vector.extract_strided_slice %get3A_66 {offsets = [11], sizes = [1], strides = [1]} : vector<16xi32> to vector<1xi32>
      %squeeze3A_225 = vector.extract %slice3A_224[0] : i32 from vector<1xi32>
      %add3A_226 = arith.constant 11 : i32
      %add3A_227 = arith.addi %add3A_71, %add3A_226 : i32
      %dma_start3A_228 = arith.constant 0 : i32
      %dma_start3A_229 = tpu.memref_slice %arg7[%squeeze3A_225, %dma_start3A_228] : memref<10x4096xf32, #tpu.memory_space<vmem>> -> memref<1x4096xf32, #tpu.memory_space<vmem>>
      %dma_start3A_230 = arith.constant 0 : i32
      %dma_start3A_231 = tpu.memref_slice %arg5[%select_n3A, %add3A_227, %dma_start3A_230] : memref<4x8208x4096xf32, #tpu.memory_space<hbm>> -> memref<1x1x4096xf32, #tpu.memory_space<hbm>>
      %dma_start3A_232 = tpu.memref_squeeze %dma_start3A_231 : memref<1x1x4096xf32, #tpu.memory_space<hbm>> -> memref<1x4096xf32, #tpu.memory_space<hbm>>
      %dma_start3A_233 = arith.constant 0 : i32
      %dma_start3A_234 = tpu.memref_slice %arg5[%select_n3A, %add3A_227, %dma_start3A_233] : memref<4x8208x4096xf32, #tpu.memory_space<hbm>> -> memref<1x1x4096xf32, #tpu.memory_space<hbm>>
      %dma_start3A_235 = tpu.memref_squeeze %dma_start3A_234 : memref<1x1x4096xf32, #tpu.memory_space<hbm>> -> memref<1x4096xf32, #tpu.memory_space<hbm>>
      %dma_start3A_236 = arith.constant 0 : i32
      %dma_start3A_237 = tpu.memref_slice %arg7[%squeeze3A_225, %dma_start3A_236] : memref<10x4096xf32, #tpu.memory_space<vmem>> -> memref<1x4096xf32, #tpu.memory_space<vmem>>
      tpu.enqueue_dma source(%dma_start3A_237 : memref<1x4096xf32, #tpu.memory_space<vmem>>) target(%dma_start3A_235 : memref<1x4096xf32, #tpu.memory_space<hbm>>) target_semaphore(%arg9 : memref<!tpu.dma_semaphore, #tpu.memory_space<semaphore_mem>>)
      %slice3A_238 = vector.extract_strided_slice %get3A_66 {offsets = [12], sizes = [1], strides = [1]} : vector<16xi32> to vector<1xi32>
      %squeeze3A_239 = vector.extract %slice3A_238[0] : i32 from vector<1xi32>
      %add3A_240 = arith.constant 12 : i32
      %add3A_241 = arith.addi %add3A_71, %add3A_240 : i32
      %dma_start3A_242 = arith.constant 0 : i32
      %dma_start3A_243 = tpu.memref_slice %arg7[%squeeze3A_239, %dma_start3A_242] : memref<10x4096xf32, #tpu.memory_space<vmem>> -> memref<1x4096xf32, #tpu.memory_space<vmem>>
      %dma_start3A_244 = arith.constant 0 : i32
      %dma_start3A_245 = tpu.memref_slice %arg5[%select_n3A, %add3A_241, %dma_start3A_244] : memref<4x8208x4096xf32, #tpu.memory_space<hbm>> -> memref<1x1x4096xf32, #tpu.memory_space<hbm>>
      %dma_start3A_246 = tpu.memref_squeeze %dma_start3A_245 : memref<1x1x4096xf32, #tpu.memory_space<hbm>> -> memref<1x4096xf32, #tpu.memory_space<hbm>>
      %dma_start3A_247 = arith.constant 0 : i32
      %dma_start3A_248 = tpu.memref_slice %arg5[%select_n3A, %add3A_241, %dma_start3A_247] : memref<4x8208x4096xf32, #tpu.memory_space<hbm>> -> memref<1x1x4096xf32, #tpu.memory_space<hbm>>
      %dma_start3A_249 = tpu.memref_squeeze %dma_start3A_248 : memref<1x1x4096xf32, #tpu.memory_space<hbm>> -> memref<1x4096xf32, #tpu.memory_space<hbm>>
      %dma_start3A_250 = arith.constant 0 : i32
      %dma_start3A_251 = tpu.memref_slice %arg7[%squeeze3A_239, %dma_start3A_250] : memref<10x4096xf32, #tpu.memory_space<vmem>> -> memref<1x4096xf32, #tpu.memory_space<vmem>>
      tpu.enqueue_dma source(%dma_start3A_251 : memref<1x4096xf32, #tpu.memory_space<vmem>>) target(%dma_start3A_249 : memref<1x4096xf32, #tpu.memory_space<hbm>>) target_semaphore(%arg9 : memref<!tpu.dma_semaphore, #tpu.memory_space<semaphore_mem>>)
      %slice3A_252 = vector.extract_strided_slice %get3A_66 {offsets = [13], sizes = [1], strides = [1]} : vector<16xi32> to vector<1xi32>
      %squeeze3A_253 = vector.extract %slice3A_252[0] : i32 from vector<1xi32>
      %add3A_254 = arith.constant 13 : i32
      %add3A_255 = arith.addi %add3A_71, %add3A_254 : i32
      %dma_start3A_256 = arith.constant 0 : i32
      %dma_start3A_257 = tpu.memref_slice %arg7[%squeeze3A_253, %dma_start3A_256] : memref<10x4096xf32, #tpu.memory_space<vmem>> -> memref<1x4096xf32, #tpu.memory_space<vmem>>
      %dma_start3A_258 = arith.constant 0 : i32
      %dma_start3A_259 = tpu.memref_slice %arg5[%select_n3A, %add3A_255, %dma_start3A_258] : memref<4x8208x4096xf32, #tpu.memory_space<hbm>> -> memref<1x1x4096xf32, #tpu.memory_space<hbm>>
      %dma_start3A_260 = tpu.memref_squeeze %dma_start3A_259 : memref<1x1x4096xf32, #tpu.memory_space<hbm>> -> memref<1x4096xf32, #tpu.memory_space<hbm>>
      %dma_start3A_261 = arith.constant 0 : i32
      %dma_start3A_262 = tpu.memref_slice %arg5[%select_n3A, %add3A_255, %dma_start3A_261] : memref<4x8208x4096xf32, #tpu.memory_space<hbm>> -> memref<1x1x4096xf32, #tpu.memory_space<hbm>>
      %dma_start3A_263 = tpu.memref_squeeze %dma_start3A_262 : memref<1x1x4096xf32, #tpu.memory_space<hbm>> -> memref<1x4096xf32, #tpu.memory_space<hbm>>
      %dma_start3A_264 = arith.constant 0 : i32
      %dma_start3A_265 = tpu.memref_slice %arg7[%squeeze3A_253, %dma_start3A_264] : memref<10x4096xf32, #tpu.memory_space<vmem>> -> memref<1x4096xf32, #tpu.memory_space<vmem>>
      tpu.enqueue_dma source(%dma_start3A_265 : memref<1x4096xf32, #tpu.memory_space<vmem>>) target(%dma_start3A_263 : memref<1x4096xf32, #tpu.memory_space<hbm>>) target_semaphore(%arg9 : memref<!tpu.dma_semaphore, #tpu.memory_space<semaphore_mem>>)
      %slice3A_266 = vector.extract_strided_slice %get3A_66 {offsets = [14], sizes = [1], strides = [1]} : vector<16xi32> to vector<1xi32>
      %squeeze3A_267 = vector.extract %slice3A_266[0] : i32 from vector<1xi32>
      %add3A_268 = arith.constant 14 : i32
      %add3A_269 = arith.addi %add3A_71, %add3A_268 : i32
      %dma_start3A_270 = arith.constant 0 : i32
      %dma_start3A_271 = tpu.memref_slice %arg7[%squeeze3A_267, %dma_start3A_270] : memref<10x4096xf32, #tpu.memory_space<vmem>> -> memref<1x4096xf32, #tpu.memory_space<vmem>>
      %dma_start3A_272 = arith.constant 0 : i32
      %dma_start3A_273 = tpu.memref_slice %arg5[%select_n3A, %add3A_269, %dma_start3A_272] : memref<4x8208x4096xf32, #tpu.memory_space<hbm>> -> memref<1x1x4096xf32, #tpu.memory_space<hbm>>
      %dma_start3A_274 = tpu.memref_squeeze %dma_start3A_273 : memref<1x1x4096xf32, #tpu.memory_space<hbm>> -> memref<1x4096xf32, #tpu.memory_space<hbm>>
      %dma_start3A_275 = arith.constant 0 : i32
      %dma_start3A_276 = tpu.memref_slice %arg5[%select_n3A, %add3A_269, %dma_start3A_275] : memref<4x8208x4096xf32, #tpu.memory_space<hbm>> -> memref<1x1x4096xf32, #tpu.memory_space<hbm>>
      %dma_start3A_277 = tpu.memref_squeeze %dma_start3A_276 : memref<1x1x4096xf32, #tpu.memory_space<hbm>> -> memref<1x4096xf32, #tpu.memory_space<hbm>>
      %dma_start3A_278 = arith.constant 0 : i32
      %dma_start3A_279 = tpu.memref_slice %arg7[%squeeze3A_267, %dma_start3A_278] : memref<10x4096xf32, #tpu.memory_space<vmem>> -> memref<1x4096xf32, #tpu.memory_space<vmem>>
      tpu.enqueue_dma source(%dma_start3A_279 : memref<1x4096xf32, #tpu.memory_space<vmem>>) target(%dma_start3A_277 : memref<1x4096xf32, #tpu.memory_space<hbm>>) target_semaphore(%arg9 : memref<!tpu.dma_semaphore, #tpu.memory_space<semaphore_mem>>)
      %slice3A_280 = vector.extract_strided_slice %get3A_66 {offsets = [15], sizes = [1], strides = [1]} : vector<16xi32> to vector<1xi32>
      %squeeze3A_281 = vector.extract %slice3A_280[0] : i32 from vector<1xi32>
      %add3A_282 = arith.constant 15 : i32
      %add3A_283 = arith.addi %add3A_71, %add3A_282 : i32
      %dma_start3A_284 = arith.constant 0 : i32
      %dma_start3A_285 = tpu.memref_slice %arg7[%squeeze3A_281, %dma_start3A_284] : memref<10x4096xf32, #tpu.memory_space<vmem>> -> memref<1x4096xf32, #tpu.memory_space<vmem>>
      %dma_start3A_286 = arith.constant 0 : i32
      %dma_start3A_287 = tpu.memref_slice %arg5[%select_n3A, %add3A_283, %dma_start3A_286] : memref<4x8208x4096xf32, #tpu.memory_space<hbm>> -> memref<1x1x4096xf32, #tpu.memory_space<hbm>>
      %dma_start3A_288 = tpu.memref_squeeze %dma_start3A_287 : memref<1x1x4096xf32, #tpu.memory_space<hbm>> -> memref<1x4096xf32, #tpu.memory_space<hbm>>
      %dma_start3A_289 = arith.constant 0 : i32
      %dma_start3A_290 = tpu.memref_slice %arg5[%select_n3A, %add3A_283, %dma_start3A_289] : memref<4x8208x4096xf32, #tpu.memory_space<hbm>> -> memref<1x1x4096xf32, #tpu.memory_space<hbm>>
      %dma_start3A_291 = tpu.memref_squeeze %dma_start3A_290 : memref<1x1x4096xf32, #tpu.memory_space<hbm>> -> memref<1x4096xf32, #tpu.memory_space<hbm>>
      %dma_start3A_292 = arith.constant 0 : i32
      %dma_start3A_293 = tpu.memref_slice %arg7[%squeeze3A_281, %dma_start3A_292] : memref<10x4096xf32, #tpu.memory_space<vmem>> -> memref<1x4096xf32, #tpu.memory_space<vmem>>
      tpu.enqueue_dma source(%dma_start3A_293 : memref<1x4096xf32, #tpu.memory_space<vmem>>) target(%dma_start3A_291 : memref<1x4096xf32, #tpu.memory_space<hbm>>) target_semaphore(%arg9 : memref<!tpu.dma_semaphore, #tpu.memory_space<semaphore_mem>>)
    }
    %scan3A_46 = arith.constant 64 : i32
    %add3A_47 = arith.constant 16 : i32
    %add3A_48 = arith.addi %add3A_47, %mul3A_32 : i32
    %add3A_49 = arith.constant 16 : i32
    %add3A_50 = arith.addi %add3A_49, %mul3A_32 : i32
    %dma_wait3A = arith.constant 0 : i32
    %dma_wait3A_51 = tpu.memref_slice %arg5[%select_n3A, %add3A_50, %dma_wait3A] : memref<4x8208x4096xf32, #tpu.memory_space<hbm>> -> memref<1x1024x4096xf32, #tpu.memory_space<hbm>>
    %dma_wait3A_52 = tpu.memref_squeeze %dma_wait3A_51 : memref<1x1024x4096xf32, #tpu.memory_space<hbm>> -> memref<1024x4096xf32, #tpu.memory_space<hbm>>
    %dma_wait3A_53 = arith.constant 0 : i32
    %dma_wait3A_54 = tpu.memref_slice %arg5[%select_n3A, %add3A_48, %dma_wait3A_53] : memref<4x8208x4096xf32, #tpu.memory_space<hbm>> -> memref<1x1024x4096xf32, #tpu.memory_space<hbm>>
    %dma_wait3A_55 = tpu.memref_squeeze %dma_wait3A_54 : memref<1x1024x4096xf32, #tpu.memory_space<hbm>> -> memref<1024x4096xf32, #tpu.memory_space<hbm>>
    tpu.wait_dma2 semaphore(%arg9 : memref<!tpu.dma_semaphore, #tpu.memory_space<semaphore_mem>>) src(%dma_wait3A_55 : memref<1024x4096xf32, #tpu.memory_space<hbm>>) dst(%dma_wait3A_52 : memref<1024x4096xf32, #tpu.memory_space<hbm>>)
    %mul3A_56 = arith.constant 2 : i32
    %mul3A_57 = arith.muli %select_n3A_30, %mul3A_56 : i32
    %dma_wait3A_58 = arith.constant 0 : i32
    %dma_wait3A_59 = tpu.memref_slice %arg5[%select_n3A, %mul3A_57, %dma_wait3A_58] : memref<4x8208x4096xf32, #tpu.memory_space<hbm>> -> memref<1x2x4096xf32, #tpu.memory_space<hbm>>
    %dma_wait3A_60 = tpu.memref_squeeze %dma_wait3A_59 : memref<1x2x4096xf32, #tpu.memory_space<hbm>> -> memref<2x4096xf32, #tpu.memory_space<hbm>>
    %dma_wait3A_61 = arith.constant 0 : i32
    %dma_wait3A_62 = tpu.memref_slice %arg5[%select_n3A, %mul3A_57, %dma_wait3A_61] : memref<4x8208x4096xf32, #tpu.memory_space<hbm>> -> memref<1x2x4096xf32, #tpu.memory_space<hbm>>
    %dma_wait3A_63 = tpu.memref_squeeze %dma_wait3A_62 : memref<1x2x4096xf32, #tpu.memory_space<hbm>> -> memref<2x4096xf32, #tpu.memory_space<hbm>>
    tpu.wait_dma2 semaphore(%arg10 : memref<!tpu.dma_semaphore, #tpu.memory_space<semaphore_mem>>) src(%arg8 : memref<2x4096xf32, #tpu.memory_space<vmem>>) dst(%dma_wait3A_63 : memref<2x4096xf32, #tpu.memory_space<hbm>>)
    return
  }
}

</mosaic_0001>

<sc_bundles>
// kernel: kernel.3.cloned.1.call-start
scs
__scs_entry_jumppad:
0x0: {  	(pc) =	sbr.rel $0x88, $3  }
0x1: {  	(tag) =	ssettag $0x0;
	lr =	simm.s32 $0x1  }
0x2: {  	[smem:$0x3F9E] =	sst lr;
	_ =	strace $0xD0000000  }
0x3: {  	_ = 	snop  }
0x4: {  	_ = 	snop  }
0x5: {  	_ = 	snop  }
0x6: {  	_ = 	snop  }
0x7: {  	_ = 	snop  }
__scs_overlays_trampoline_lowered:
0x8: {  	[smem:$0x3FAD] =	sst s0  }
0x9: {  	[smem:$0x3FAE] =	sst s1  }
0xa: {  	[smem:$0x3FAF] =	sst s2  }
0xb: {  	[smem:$0x3FB0] =	sst s3  }
0xc: {  	[smem:$0x3FB1] =	sst s4  }
0xd: {  	[smem:$0x3FB2] =	sst s5  }
0xe: {  	[smem:$0x3FB3] =	sst s6  }
0xf: {  	[smem:$0x3FB4] =	sst s7  }
0x10: {  	[smem:$0x3FB5] =	sst s8  }
0x11: {  	[smem:$0x3FB6] =	sst s9;
	s0 =	simm.s32 @!p0 $0x0  }
0x12: {  	s1 =	sld [smem:$0x3F9C];
	s0 =	simm.s32 @p0 $0x1  }
0x13: {  	[smem:$0x3FB7] =	sst s0;
	s0 =	simm.s32 @!p1 $0x0  }
0x14: {  	s2 =	sld [smem:$0x3F9B];
	s0 =	simm.s32 @p1 $0x1  }
0x15: {  	[smem:$0x3FB8] =	sst s0;
	s0 =	simm.s32 @!p2 $0x0  }
0x16: {  	s3 =	sld [smem:$0x3FDB];
	s0 =	simm.s32 @p2 $0x1  }
0x17: {  	s4 =	simm.s32 $0x1BF5;
	[smem:$0x3FBA] =	sst s0  }
0x18: {  	s0 =	sld [smem:$0x3F9D];
	_ =	swait.ge [sflag:s4], $0x0  }
0x19: {  	s7 =	sld [smem:$0x3F9E]  }
0x1a: {  	s8 =	sadd.s32 $0xFFFFE003, lr  }
0x1b: {  	s9 =	sadd.s32 $0xFFFFFEF7, lr;
	s5 =	simm.s32 $0xFFFFFFFF;
	p2 =	slt.u32 s8, $0xFFFFF086  }
0x1c: {  	p1 =	slt.u32 s9, $0xF7A;
	s5 =	simm.s32 @!p2 $0x0  }
0x1d: {  	s5 =	simm.s32 @p1 $0x1;
	p0 =	seq.s32 s7, s2  }
0x1e: {  	s7 =	smul.u32 @!p0 $0xF7A, s2;
	p2 =	seq.s32 @!p0 s5, $0x0  }
0x1f: {  	s9 =	smul.u32 $0xF7A, s1;
	s8 =	simm.s32 @!p0 $0x1BF5;
	p2 =	por !p2, p0  }
0x20: {  	[sflag:s8] =	ssyncset.s32 @!p0 $0xFFFFF086;
	s6 =	sadd.s32 @!p0 s3, s7;
	s7 =	simm.s32 @!p0 $0x108  }
0x21: {  	s3 =	sadd.s32 s3, s9;
	s6 =	sadd.s32 @!p0 $0x88, s6;
	s7 =	simm.s32 @p2 $0x1082  }
0x22: {  	[simem:s7], [sflag:s8] =	dma.local @!p0 [hbm:s6], $0xF7A  }
0x23: {  	s9 =	sor.u32 $0xD0000000, s2;
	s6 =	simm.s32 $0x108;
	_ =	swait.ge @!p0 [sflag:s8], $0x0  }
0x24: {  	s3 =	sadd.s32 $0x88, s3;
	s6 =	simm.s32 @!p1 $0x1082;
	[sflag:s4] =	ssyncset.s32 $0xFFFFF086  }
0x25: {  	[simem:s6], [sflag:s4] =	dma.local [hbm:s3], $0xF7A  }
0x26: {  	[smem:$0x3F9E] =	sst s1;
	(tag) =	ssettag s2;
	_ =	strace s9  }
0x27: {  	s1 =	sld [smem:$0x3FAE]  }
0x28: {  	s2 =	sld [smem:$0x3FAF]  }
0x29: {  	s4 =	sld [smem:$0x3FB1]  }
0x2a: {  	p0 =	seq.s32 s5, $0x0;
	s5 =	sld [smem:$0x3FB2]  }
0x2b: {  	s6 =	sld [smem:$0x3FB3]  }
0x2c: {  	s7 =	sld [smem:$0x3FB4]  }
0x2d: {  	s3 =	simm.s32 $0x108;
	s8 =	sld [smem:$0x3FB5]  }
0x2e: {  	s3 =	simm.s32 @!p0 $0x1082;
	s9 =	sld [smem:$0x3FB6]  }
0x2f: {  	lr =	sadd.s32 s0, s3;
	s0 =	sld [smem:$0x3FAD]  }
0x30: {  	s3 =	sld [smem:$0x3FB0]  }
0x31: {  	[smem:$0x3FB9] =	sst s10  }
0x32: {  	s10 =	sld [smem:$0x3FB7];
	_ =	sdelay $0x3  }
0x33: {  	p0 =	seq.s32 s10, $0x1;
	s10 =	sld [smem:$0x3FB9];
	_ =	sdelay $0x3  }
0x34: {  	[smem:$0x3FB9] =	sst s10  }
0x35: {  	s10 =	sld [smem:$0x3FB8];
	_ =	sdelay $0x3  }
0x36: {  	p1 =	seq.s32 s10, $0x1;
	s10 =	sld [smem:$0x3FB9];
	_ =	sdelay $0x3  }
0x37: {  	[smem:$0x3FB9] =	sst s10  }
0x38: {  	s10 =	sld [smem:$0x3FBA]  }
0x39: {  	_ = 	snop;
	(pc) =	sbr.ind lr, $3  }
0x3a: {  	_ = 	snop  }
0x3b: {  	_ = 	snop  }
0x3c: {  	p2 =	seq.s32 s10, $0x1;
	s10 =	sld [smem:$0x3FB9]  }
0x3d: {  	_ =	shalt  }
0x3e: {  	_ =	shalt  }
0x3f: {  	_ =	shalt  }
0x40: {  	_ =	shalt  }
0x41: {  	_ =	shalt  }
0x42: {  	_ =	shalt  }
0x43: {  	_ =	shalt  }
0x44: {  	_ =	shalt  }
0x45: {  	_ =	shalt  }
0x46: {  	_ =	shalt  }
0x47: {  	_ =	shalt  }
0x48: {  	_ =	shalt  }
0x49: {  	_ =	shalt  }
0x4a: {  	_ =	shalt  }
0x4b: {  	_ =	shalt  }
0x4c: {  	_ =	shalt  }
0x4d: {  	_ =	shalt  }
0x4e: {  	_ =	shalt  }
0x4f: {  	_ =	shalt  }
0x50: {  	_ =	shalt  }
0x51: {  	_ =	shalt  }
0x52: {  	_ =	shalt  }
0x53: {  	_ =	shalt  }
0x54: {  	_ =	shalt  }
0x55: {  	_ =	shalt  }
0x56: {  	_ =	shalt  }
0x57: {  	_ =	shalt  }
0x58: {  	_ =	shalt  }
0x59: {  	_ =	shalt  }
0x5a: {  	_ =	shalt  }
0x5b: {  	_ =	shalt  }
0x5c: {  	_ =	shalt  }
0x5d: {  	_ =	shalt  }
0x5e: {  	_ =	shalt  }
0x5f: {  	_ =	shalt  }
0x60: {  	_ =	shalt  }
0x61: {  	_ =	shalt  }
0x62: {  	_ =	shalt  }
0x63: {  	_ =	shalt  }
0x64: {  	_ =	shalt  }
0x65: {  	_ =	shalt  }
0x66: {  	_ =	shalt  }
0x67: {  	_ =	shalt  }
0x68: {  	_ =	shalt  }
0x69: {  	_ =	shalt  }
0x6a: {  	_ =	shalt  }
0x6b: {  	_ =	shalt  }
0x6c: {  	_ =	shalt  }
0x6d: {  	_ =	shalt  }
0x6e: {  	_ =	shalt  }
0x6f: {  	_ =	shalt  }
0x70: {  	_ =	shalt  }
0x71: {  	_ =	shalt  }
0x72: {  	_ =	shalt  }
0x73: {  	_ =	shalt  }
0x74: {  	_ =	shalt  }
0x75: {  	_ =	shalt  }
0x76: {  	_ =	shalt  }
0x77: {  	_ =	shalt  }
0x78: {  	_ =	shalt  }
0x79: {  	_ =	shalt  }
0x7a: {  	_ =	shalt  }
0x7b: {  	_ =	shalt  }
0x7c: {  	_ =	shalt  }
0x7d: {  	_ =	shalt  }
0x7e: {  	_ =	shalt  }
0x7f: {  	_ =	shalt  }
0x80: {  	_ =	shalt  }
0x81: {  	_ =	shalt  }
0x82: {  	_ =	shalt  }
0x83: {  	_ =	shalt  }
0x84: {  	_ =	shalt  }
0x85: {  	_ =	shalt  }
0x86: {  	_ =	shalt  }
0x87: {  	_ =	shalt  }
.Lfunc_end0:
.L_simem_size_0:
called_computation_lowered:
.L_overlay_start_0:
0x88: {  	s2 =	sld [smem:$0x3FD9]  }
0x89: {  	s3 =	sld [smem:$0x3FFE];
	_ =	sdelay $0x1  }
0x8a: {  	s1 =	srdreg.scid  }
0x8b: {  	s0 =	sand.u32 $0x1, s1  }
0x8c: {  	s17 =	sshll.u32 s0, $0xA;
	s2 =	sadd.s32 s3, s2  }
0x8d: {  	s2 =	sadd.s32 s2, s17  }
0x8e: {  	[smem:$0x3FC5] =	sst s2  }
0x8f: {  	_ = 	snop  }
0x90: {  	s2 =	sld [smem:$0x3FC8]  }
0x91: {  	s18 =	sld [smem:$0x3FC7]  }
0x92: {  	s4 =	sld [smem:$0x3FD0];
	(tm) =	ssettm $0x1  }
0x93: {  	s5 =	sld [smem:$0x3FFB];
	_ =	sdelay $0x3  }
0x94: {  	_ =	strace s5  }
0x95: {  	s5 =	sld [smem:$0x3FFC];
	_ =	sdelay $0x3  }
0x96: {  	_ =	strace s5  }
0x97: {  	s5 =	sld [smem:$0x3FFD];
	_ =	sdelay $0x3  }
0x98: {  	_ =	strace s5  }
0x99: {  	_ =	strace $0x8FFFFFFF  }
0x9a: {  	s19 =	sld [smem:$0x3FDB];
	_ =	sdelay $0x1  }
0x9b: {  	s6 =	simm.s32 $_scs_section_size  }
0x9c: {  	s7 =	simm.s32 $_size__tile_overlayer_lowered;
	s8 =	simm.s32 $_tile_overlayer_lowered  }
0x9d: {  	s22 =	simm.s32 $0x1BFF;
	s21 =	sshll.u32 s8, $0x1;
	s5 =	sadd.s32 s6, s19  }
0x9e: {  	s9 =	simm.s32 $0x0;
	s20 =	sshll.u32 s7, $0x1;
	s7 =	sadd.s32 s21, s5  }
0x9f: {  	[timem:s9], [sflag:s22] =	dma.local [hbm:s7], s20  }
0xa0: {  	_ =	swait.ge [sflag:s22], s20  }
0xa1: {  	s6 =	ssub.s32 $0x0, s20;
	[sflag:s22] =	ssyncset.done $0x0  }
0xa2: {  	[sflag:s22] =	ssyncadd.s32 s6;
	_ =	sdelay $0x1  }
0xa3: {  	s23 =	simm.s32 $0x1B8B  }
0xa4: {  	_ =	swait.ge [sflag:s23], $0x1  }
0xa5: {  	[sflag:s23] =	ssyncset.done $0x0  }
0xa6: {  	s25 =	simm.s32 $0x1B8E;
	s24 =	sld [smem:$0x3FFE];
	[sflag:s23] =	ssyncadd.s32 $0xFFFFFFFF  }
0xa7: {  	s26 =	simm.s32 $execute0_lowered;
	[smem:$0x3FD2] =	sst s25  }
0xa8: {  	s7 =	sshll.u32 s26, $0x1;
	_ =	strace $0x80000046;
	[dreg:$0x1] =	wrdreg $0xFFFFFFFF  }
0xa9: {  	s28 =	simm.s32 $_size_execute0_lowered;
	s5 =	sadd.s32 s5, s7;
	[dreg:$0x0] =	wrdreg $0x0  }
0xaa: {  	s7 =	sshll.u32 s28, $0x1;
	[dreg:$0x2] =	wrdreg s5  }
0xab: {  	[dreg:$0x3] =	wrdreg s7  }
0xac: {  	[dreg:$0x4] =	wrdreg $0xC0  }
0xad: {  	_ =	task [dreg:s9], $0x5FFFF  }
0xae: {  	[dreg:$0x1] =	wrdreg $0xFFFFFFFF  }
0xaf: {  	[dreg:$0x0] =	wrdreg $0x60  }
0xb0: {  	[dreg:$0x2] =	wrdreg s24  }
0xb1: {  	[dreg:$0x3] =	wrdreg s2  }
0xb2: {  	[dreg:$0x4] =	wrdreg s18  }
0xb3: {  	[dreg:$0x5] =	wrdreg s4  }
0xb4: {  	[dreg:$0x6] =	wrdreg $0x9  }
0xb5: {  	_ =	task.clear_ibuf [dreg:s9], $0x7FFFF;
	_ =	strace $0x90000046  }
0xb6: {  	s29 =	simm.s32 $0x9;
	_ =	strace $0x80000048  }
0xb7: {  	_ =	swait.ge [sflag:s29], $0x1  }
0xb8: {  	[sflag:s29] =	ssyncadd.s32 $0xFFFFFFFF  }
0xb9: {  	_ =	strace $0x90000048  }
0xba: {  	_ =	sfence  }
0xbb: {  	s30 =	sld [smem:$0x0];
	_ =	sdelay $0x2  }
0xbc: {  	s31 =	sshll.u32 s1, $0xD;
	s1 =	sshrl.u32 s1, $0x2  }
0xbd: {  	s3 =	sand.u32 $0x4000, s31;
	s1 =	sadd.s32 s1, s30  }
0xbe: {  	s0 =	sor.u32 s3, s0;
	s1 =	sshll.u32 s1, $0x11  }
0xbf: {  	s0 =	sor.u32 s1, s0  }
0xc0: {  	s0 =	sadd.s32 $0x8F2B, s0  }
0xc1: {  	[sflag:s0] =	ssyncadd.remote.s32 $0x1  }
0xc2: {  	_ =	sfence.sel $0xFFFF  }
0xc3: {  	[dreg:$0x0] =	wrdreg $0xFFFFFFFF;
	(pc) =	sbr.abs _section_cstart, $3  }
0xc4: {  	[dreg:$0x1] =	wrdreg $0xFFFFFFFF  }
0xc5: {  	_ =	task.clear_ibuf [dreg:s9], $0x2FFFF;
	_ =	strace $0x9FFFFFFF  }
0xc6: {  	(tm) =	ssettm $0x7FFFFFFF  }
0xc7: {  	_ =	shalt  }
tec
execute0_lowered:
.L_overlay_start_1:
0x0: {  	(tag) =	ssettag $0x1  }
0x1: {  	s0 =	rddreg [dreg:$0x0]  }
0x2: {  	s1 =	rddreg [dreg:$0x2]  }
0x3: {  	s3 =	rddreg [dreg:$0x3]  }
0x4: {  	s2 =	srdreg.scid;
	s8 =	stileid.u32  }
0x5: {  	s4 =	simm.s32 $0x0;
	s19 =	simm.s32 $0x3;
	s21 =	simm.s32 $0x100  }
0x6: {  	s22 =	simm.s32 $0x400;
	s23 =	simm.s32 $0x12000;
	s24 =	simm.s32 $0x1  }
0x7: {  	s25 =	simm.s32 $0x2;
	s26 =	simm.s32 $0x0;
	s2 =	sand.u32 $0x1, s2  }
0x8: {  	s5 =	sshll.u32 s8, $0x1;
	[smem:$0x7FF] =	sst s4;
	s28 =	sshrl.u32 s8, $0x2  }
0x9: {  	s8 =	sshll.u32 s8, $0xE;
	s11 =	sadd.s32 $0x20, s3;
	s12 =	sadd.s32 $0x30, s3  }
0xa: {  	s13 =	sadd.s32 $0x40, s3;
	s14 =	sadd.s32 $0x50, s3;
	s15 =	sadd.s32 $0x60, s3  }
0xb: {  	s16 =	sadd.s32 $0x70, s3;
	s6 =	sor.u32 s2, s5;
	_ =	strace $0x80000047  }
0xc: {  	s2 =	ssub.s32 $0x2, s2;
	s5 =	smul.u32 $0x2010000, s28;
	s7 =	sshll.u32 s6, $0xA  }
0xd: {  	s9 =	sshll.u32 s6, $0x8;
	s29 =	sshrl.u32 s2, $0x1;
	s6 =	sshll.u32 s6, $0x16  }
0xe: {  	s8 =	sor.u32 s8, s9;
	s0 =	sadd.s32 s7, s0;
	s2 =	ssub.s32 s2, s29  }
0xf: {  	s31 =	sand.u32 $0x1C00000, s6;
	s17 =	sor.u32 $0x8000, s5;
	s8 =	sand.u32 $0x8300, s8  }
0x10: {  	s6 =	sadd.s32 $0x400, s0;
	s9 =	sor.u32 $0x10000, s31;
	s30 =	sor.u32 s5, s8  }
0x11: {  	s18 =	smax.u32 s2, $0x1;
	s8 =	sshrl.u32 s8, $0x3;
	s10 =	sshrl.u32 s30, $0x3  }
0x12: {  	s7 =	sadd.s32 s1, s8;
	s8 =	sadd.s32 s3, s10;
	s10 =	sadd.s32 $0x10, s3  }
.LBB2_1:
0x13: {  	[tilespmem:s4], [sflag:$0x3] =	stream.linear.gather [hbm4b:s6+s4], $0x2000, $0x38;
	[tilespmem:$0x14000] =	vst v63  }
0x14: {  	_ =	swait.ge [sflag:s19], $0x2000  }
0x15: {  	[sflag:s19] =	ssyncset.done $0x0  }
0x16: {  	[sflag:s19] =	ssyncadd.s32 $0xFFFFE000  }
0x17: {  	s1 =	simm.s32 $0x2000;
	s0 =	rddreg [dreg:$0x1]  }
0x18: {  	[tilespmem:s1], [sflag:$0x3] =	stream.linear.gather [hbm4b:s0+s4], $0x10000, $0x38;
	[tilespmem:$0x14000] =	vst v63  }
0x19: {  	_ =	swait.ge [sflag:s19], $0x10000  }
0x1a: {  	[sflag:s19] =	ssyncset.done $0x0  }
0x1b: {  	[sflag:s19] =	ssyncadd.s32 $0xFFFF0000  }
0x1c: {  	[tilespmem:s23], [sflag:$0x3] =	stream.strided.gather [hbm4b:s7+s21], $0x2000, s22, s21, $0x38;
	[tilespmem:$0x14000] =	vst v63  }
0x1d: {  	_ =	swait.ge [sflag:s19], $0x2000  }
0x1e: {  	[sflag:s19] =	ssyncset.done $0x0  }
0x1f: {  	s28 =	simm.s32 $0x0;
	[sflag:s19] =	ssyncadd.s32 $0xFFFFE000  }
0x20: {  	[hbm4b:s8+s21] =	stream.strided.scatter [tilespmem:s23], [sflag:$0x2], $0x2000, s22, s21, $0x38;
	[tilespmem:$0x14000] =	vst v63  }
.LBB2_2:
0x21: {  	s0 =	sshll.u32 s28, $0x7  }
0x22: {  	s0 =	sand.u32 $0x3FFFFF80, s0  }
0x23: {  	v0 =	vld [tilespmem:s0+$0x0];
	_ =	sdelay $0x4  }
0x24: {  	(v2sf) =	vpush v0, $0x0;
	_ =	sdelay $0xe  }
0x25: {  	s2 =	sshll.u32 s28, $0x10;
	s1 =	spop (v2sf)  }
0x26: {  	s29 =	sadd.s32 s9, s2;
	s20 =	sshll.u32 s1, $0xC;
	s1 =	sshll.u32 s1, $0x7  }
0x27: {  	s2 =	sadd.s32 s5, s29;
	s0 =	sand.u32 $0xFFFF8000, s20;
	s1 =	sand.u32 $0x380, s1  }
0x28: {  	s30 =	sshrl.u32 s2, $0x3;
	s0 =	sor.u32 s1, s0  }
0x29: {  	s31 =	sadd.s32 s3, s30;
	s0 =	sor.u32 $0x2000, s0  }
0x2a: {  	s2 =	simm.s32 $0x80;
	s20 =	sadd.s32 $0x0, s31;
	s1 =	sadd.s32 $0x400, s0  }
.LBB2_3:
0x2b: {  	[hbm4b:s20+s4] =	stream.linear.scatter [tilespmem:s0], [sflag:$0x1], $0x80, $0x38;
	[tilespmem:$0x14000] =	vst v63  }
0x2c: {  	s20 =	smov.u32 s2;
	s0 =	smov.u32 s1;
	p0 =	sne.s32 s2, $0xF80  }
.Ltmp0:
0x2d: {  	s2 =	sadd.s32 $0x80, s2;
	(pc) =	sbr.rel @p0 .LBB2_3-.Ltmp0, $2  }
0x2e: {  	_ =	sdelay $0x2  }
0x2f: {  	s1 =	sadd.s32 $0x400, s1;
	s20 =	sadd.s32 s20, s31  }
0x30: {  	(v2sf) =	vpush v0, $0x1;
	_ =	sdelay $0xd  }
0x31: {  	[hbm4b:s20+s4] =	stream.linear.scatter [tilespmem:s0], [sflag:$0x1], $0x80, $0x38;
	[tilespmem:$0x14000] =	vst v63  }
0x32: {  	s20 =	spop (v2sf)  }
0x33: {  	s1 =	sshll.u32 s20, $0xC;
	s0 =	sshll.u32 s20, $0x7  }
0x34: {  	s1 =	sand.u32 $0xFFFF8000, s1;
	s0 =	sand.u32 $0x380, s0  }
0x35: {  	s0 =	sor.u32 s0, s1  }
0x36: {  	s31 =	sadd.s32 s30, s10;
	s0 =	sor.u32 $0x2000, s0  }
0x37: {  	s2 =	simm.s32 $0x80;
	s20 =	sadd.s32 $0x0, s31;
	s1 =	sadd.s32 $0x400, s0  }
.LBB2_5:
0x38: {  	[hbm4b:s20+s4] =	stream.linear.scatter [tilespmem:s0], [sflag:$0x1], $0x80, $0x38;
	[tilespmem:$0x14000] =	vst v63  }
0x39: {  	s20 =	smov.u32 s2;
	s0 =	smov.u32 s1;
	p0 =	sne.s32 s2, $0xF80  }
.Ltmp1:
0x3a: {  	s2 =	sadd.s32 $0x80, s2;
	(pc) =	sbr.rel @p0 .LBB2_5-.Ltmp1, $2  }
0x3b: {  	_ =	sdelay $0x2  }
0x3c: {  	s1 =	sadd.s32 $0x400, s1;
	s20 =	sadd.s32 s20, s31  }
0x3d: {  	(v2sf) =	vpush v0, $0x2;
	_ =	sdelay $0xd  }
0x3e: {  	[hbm4b:s20+s4] =	stream.linear.scatter [tilespmem:s0], [sflag:$0x1], $0x80, $0x38;
	[tilespmem:$0x14000] =	vst v63  }
0x3f: {  	s20 =	spop (v2sf)  }
0x40: {  	s1 =	sshll.u32 s20, $0xC;
	s0 =	sshll.u32 s20, $0x7  }
0x41: {  	s1 =	sand.u32 $0xFFFF8000, s1;
	s0 =	sand.u32 $0x380, s0  }
0x42: {  	s0 =	sor.u32 s0, s1  }
0x43: {  	s31 =	sadd.s32 s30, s11;
	s0 =	sor.u32 $0x2000, s0  }
0x44: {  	s2 =	simm.s32 $0x80;
	s20 =	sadd.s32 $0x0, s31;
	s1 =	sadd.s32 $0x400, s0  }
.LBB2_7:
0x45: {  	[hbm4b:s20+s4] =	stream.linear.scatter [tilespmem:s0], [sflag:$0x1], $0x80, $0x38;
	[tilespmem:$0x14000] =	vst v63  }
0x46: {  	s20 =	smov.u32 s2;
	s0 =	smov.u32 s1;
	p0 =	sne.s32 s2, $0xF80  }
.Ltmp2:
0x47: {  	s2 =	sadd.s32 $0x80, s2;
	(pc) =	sbr.rel @p0 .LBB2_7-.Ltmp2, $2  }
0x48: {  	_ =	sdelay $0x2  }
0x49: {  	s1 =	sadd.s32 $0x400, s1;
	s20 =	sadd.s32 s20, s31  }
0x4a: {  	(v2sf) =	vpush v0, $0x3;
	_ =	sdelay $0xd  }
0x4b: {  	[hbm4b:s20+s4] =	stream.linear.scatter [tilespmem:s0], [sflag:$0x1], $0x80, $0x38;
	[tilespmem:$0x14000] =	vst v63  }
0x4c: {  	s20 =	spop (v2sf)  }
0x4d: {  	s1 =	sshll.u32 s20, $0xC;
	s0 =	sshll.u32 s20, $0x7  }
0x4e: {  	s1 =	sand.u32 $0xFFFF8000, s1;
	s0 =	sand.u32 $0x380, s0  }
0x4f: {  	s0 =	sor.u32 s0, s1  }
0x50: {  	s31 =	sadd.s32 s30, s12;
	s0 =	sor.u32 $0x2000, s0  }
0x51: {  	s2 =	simm.s32 $0x80;
	s20 =	sadd.s32 $0x0, s31;
	s1 =	sadd.s32 $0x400, s0  }
.LBB2_9:
0x52: {  	[hbm4b:s20+s4] =	stream.linear.scatter [tilespmem:s0], [sflag:$0x1], $0x80, $0x38;
	[tilespmem:$0x14000] =	vst v63  }
0x53: {  	s20 =	smov.u32 s2;
	s0 =	smov.u32 s1;
	p0 =	sne.s32 s2, $0xF80  }
.Ltmp3:
0x54: {  	s2 =	sadd.s32 $0x80, s2;
	(pc) =	sbr.rel @p0 .LBB2_9-.Ltmp3, $2  }
0x55: {  	_ =	sdelay $0x2  }
0x56: {  	s1 =	sadd.s32 $0x400, s1;
	s20 =	sadd.s32 s20, s31  }
0x57: {  	(v2sf) =	vpush v0, $0x4;
	_ =	sdelay $0xd  }
0x58: {  	[hbm4b:s20+s4] =	stream.linear.scatter [tilespmem:s0], [sflag:$0x1], $0x80, $0x38;
	[tilespmem:$0x14000] =	vst v63  }
0x59: {  	s20 =	spop (v2sf)  }
0x5a: {  	s1 =	sshll.u32 s20, $0xC;
	s0 =	sshll.u32 s20, $0x7  }
0x5b: {  	s1 =	sand.u32 $0xFFFF8000, s1;
	s0 =	sand.u32 $0x380, s0  }
0x5c: {  	s0 =	sor.u32 s0, s1  }
0x5d: {  	s31 =	sadd.s32 s30, s13;
	s0 =	sor.u32 $0x2000, s0  }
0x5e: {  	s2 =	simm.s32 $0x80;
	s20 =	sadd.s32 $0x0, s31;
	s1 =	sadd.s32 $0x400, s0  }
.LBB2_11:
0x5f: {  	[hbm4b:s20+s4] =	stream.linear.scatter [tilespmem:s0], [sflag:$0x1], $0x80, $0x38;
	[tilespmem:$0x14000] =	vst v63  }
0x60: {  	s20 =	smov.u32 s2;
	s0 =	smov.u32 s1;
	p0 =	sne.s32 s2, $0xF80  }
.Ltmp4:
0x61: {  	s2 =	sadd.s32 $0x80, s2;
	(pc) =	sbr.rel @p0 .LBB2_11-.Ltmp4, $2  }
0x62: {  	_ =	sdelay $0x2  }
0x63: {  	s1 =	sadd.s32 $0x400, s1;
	s20 =	sadd.s32 s20, s31  }
0x64: {  	(v2sf) =	vpush v0, $0x5;
	_ =	sdelay $0xd  }
0x65: {  	[hbm4b:s20+s4] =	stream.linear.scatter [tilespmem:s0], [sflag:$0x1], $0x80, $0x38;
	[tilespmem:$0x14000] =	vst v63  }
0x66: {  	s20 =	spop (v2sf)  }
0x67: {  	s1 =	sshll.u32 s20, $0xC;
	s0 =	sshll.u32 s20, $0x7  }
0x68: {  	s1 =	sand.u32 $0xFFFF8000, s1;
	s0 =	sand.u32 $0x380, s0  }
0x69: {  	s0 =	sor.u32 s0, s1  }
0x6a: {  	s31 =	sadd.s32 s30, s14;
	s0 =	sor.u32 $0x2000, s0  }
0x6b: {  	s2 =	simm.s32 $0x80;
	s20 =	sadd.s32 $0x0, s31;
	s1 =	sadd.s32 $0x400, s0  }
.LBB2_13:
0x6c: {  	[hbm4b:s20+s4] =	stream.linear.scatter [tilespmem:s0], [sflag:$0x1], $0x80, $0x38;
	[tilespmem:$0x14000] =	vst v63  }
0x6d: {  	s20 =	smov.u32 s2;
	s0 =	smov.u32 s1;
	p0 =	sne.s32 s2, $0xF80  }
.Ltmp5:
0x6e: {  	s2 =	sadd.s32 $0x80, s2;
	(pc) =	sbr.rel @p0 .LBB2_13-.Ltmp5, $2  }
0x6f: {  	_ =	sdelay $0x2  }
0x70: {  	s1 =	sadd.s32 $0x400, s1;
	s20 =	sadd.s32 s20, s31  }
0x71: {  	(v2sf) =	vpush v0, $0x6;
	_ =	sdelay $0xd  }
0x72: {  	[hbm4b:s20+s4] =	stream.linear.scatter [tilespmem:s0], [sflag:$0x1], $0x80, $0x38;
	[tilespmem:$0x14000] =	vst v63  }
0x73: {  	s20 =	spop (v2sf)  }
0x74: {  	s1 =	sshll.u32 s20, $0xC;
	s0 =	sshll.u32 s20, $0x7  }
0x75: {  	s1 =	sand.u32 $0xFFFF8000, s1;
	s0 =	sand.u32 $0x380, s0  }
0x76: {  	s0 =	sor.u32 s0, s1  }
0x77: {  	s31 =	sadd.s32 s30, s15;
	s0 =	sor.u32 $0x2000, s0  }
0x78: {  	s2 =	simm.s32 $0x80;
	s20 =	sadd.s32 $0x0, s31;
	s1 =	sadd.s32 $0x400, s0  }
.LBB2_15:
0x79: {  	[hbm4b:s20+s4] =	stream.linear.scatter [tilespmem:s0], [sflag:$0x1], $0x80, $0x38;
	[tilespmem:$0x14000] =	vst v63  }
0x7a: {  	s20 =	smov.u32 s2;
	s0 =	smov.u32 s1;
	p0 =	sne.s32 s2, $0xF80  }
.Ltmp6:
0x7b: {  	s2 =	sadd.s32 $0x80, s2;
	(pc) =	sbr.rel @p0 .LBB2_15-.Ltmp6, $2  }
0x7c: {  	_ =	sdelay $0x2  }
0x7d: {  	s1 =	sadd.s32 $0x400, s1;
	s20 =	sadd.s32 s20, s31  }
0x7e: {  	(v2sf) =	vpush v0, $0x7;
	_ =	sdelay $0xd  }
0x7f: {  	[hbm4b:s20+s4] =	stream.linear.scatter [tilespmem:s0], [sflag:$0x1], $0x80, $0x38;
	[tilespmem:$0x14000] =	vst v63  }
0x80: {  	s31 =	spop (v2sf)  }
0x81: {  	s1 =	sshll.u32 s31, $0xC;
	s0 =	sshll.u32 s31, $0x7  }
0x82: {  	s1 =	sand.u32 $0xFFFF8000, s1;
	s0 =	sand.u32 $0x380, s0  }
0x83: {  	s0 =	sor.u32 s0, s1  }
0x84: {  	s30 =	sadd.s32 s30, s16;
	s0 =	sor.u32 $0x2000, s0  }
0x85: {  	s2 =	simm.s32 $0x80;
	s20 =	sadd.s32 $0x0, s30;
	s1 =	sadd.s32 $0x400, s0  }
.LBB2_17:
0x86: {  	[hbm4b:s20+s4] =	stream.linear.scatter [tilespmem:s0], [sflag:$0x1], $0x80, $0x38;
	[tilespmem:$0x14000] =	vst v63  }
0x87: {  	s20 =	smov.u32 s2;
	s0 =	smov.u32 s1;
	p0 =	sne.s32 s2, $0xF80  }
.Ltmp7:
0x88: {  	s2 =	sadd.s32 $0x80, s2;
	(pc) =	sbr.rel @p0 .LBB2_17-.Ltmp7, $2  }
0x89: {  	_ =	sdelay $0x2  }
0x8a: {  	s1 =	sadd.s32 $0x400, s1;
	s20 =	sadd.s32 s20, s30  }
0x8b: {  	(v2sf) =	vpush v0, $0x8;
	_ =	sdelay $0xd  }
0x8c: {  	[hbm4b:s20+s4] =	stream.linear.scatter [tilespmem:s0], [sflag:$0x1], $0x80, $0x38;
	[tilespmem:$0x14000] =	vst v63  }
0x8d: {  	s31 =	spop (v2sf)  }
0x8e: {  	s1 =	sshll.u32 s31, $0xC;
	s0 =	sshll.u32 s31, $0x7  }
0x8f: {  	s2 =	sadd.s32 s29, s17;
	s1 =	sand.u32 $0xFFFF8000, s1;
	s0 =	sand.u32 $0x380, s0  }
0x90: {  	s29 =	sshrl.u32 s2, $0x3;
	s0 =	sor.u32 s0, s1  }
0x91: {  	s30 =	sadd.s32 s3, s29;
	s0 =	sor.u32 $0x2000, s0  }
0x92: {  	s2 =	simm.s32 $0x80;
	s20 =	sadd.s32 $0x0, s30;
	s1 =	sadd.s32 $0x400, s0  }
.LBB2_19:
0x93: {  	[hbm4b:s20+s4] =	stream.linear.scatter [tilespmem:s0], [sflag:$0x1], $0x80, $0x38;
	[tilespmem:$0x14000] =	vst v63  }
0x94: {  	s20 =	smov.u32 s2;
	s0 =	smov.u32 s1;
	p0 =	sne.s32 s2, $0xF80  }
.Ltmp8:
0x95: {  	s2 =	sadd.s32 $0x80, s2;
	(pc) =	sbr.rel @p0 .LBB2_19-.Ltmp8, $2  }
0x96: {  	_ =	sdelay $0x2  }
0x97: {  	s1 =	sadd.s32 $0x400, s1;
	s20 =	sadd.s32 s20, s30  }
0x98: {  	(v2sf) =	vpush v0, $0x9;
	_ =	sdelay $0xd  }
0x99: {  	[hbm4b:s20+s4] =	stream.linear.scatter [tilespmem:s0], [sflag:$0x1], $0x80, $0x38;
	[tilespmem:$0x14000] =	vst v63  }
0x9a: {  	s31 =	spop (v2sf)  }
0x9b: {  	s1 =	sshll.u32 s31, $0xC;
	s0 =	sshll.u32 s31, $0x7  }
0x9c: {  	s1 =	sand.u32 $0xFFFF8000, s1;
	s0 =	sand.u32 $0x380, s0  }
0x9d: {  	s0 =	sor.u32 s0, s1  }
0x9e: {  	s30 =	sadd.s32 s29, s10;
	s0 =	sor.u32 $0x2000, s0  }
0x9f: {  	s2 =	simm.s32 $0x80;
	s20 =	sadd.s32 $0x0, s30;
	s1 =	sadd.s32 $0x400, s0  }
.LBB2_21:
0xa0: {  	[hbm4b:s20+s4] =	stream.linear.scatter [tilespmem:s0], [sflag:$0x1], $0x80, $0x38;
	[tilespmem:$0x14000] =	vst v63  }
0xa1: {  	s20 =	smov.u32 s2;
	s0 =	smov.u32 s1;
	p0 =	sne.s32 s2, $0xF80  }
.Ltmp9:
0xa2: {  	s2 =	sadd.s32 $0x80, s2;
	(pc) =	sbr.rel @p0 .LBB2_21-.Ltmp9, $2  }
0xa3: {  	_ =	sdelay $0x2  }
0xa4: {  	s1 =	sadd.s32 $0x400, s1;
	s20 =	sadd.s32 s20, s30  }
0xa5: {  	(v2sf) =	vpush v0, $0xA;
	_ =	sdelay $0xd  }
0xa6: {  	[hbm4b:s20+s4] =	stream.linear.scatter [tilespmem:s0], [sflag:$0x1], $0x80, $0x38;
	[tilespmem:$0x14000] =	vst v63  }
0xa7: {  	s31 =	spop (v2sf)  }
0xa8: {  	s1 =	sshll.u32 s31, $0xC;
	s0 =	sshll.u32 s31, $0x7  }
0xa9: {  	s1 =	sand.u32 $0xFFFF8000, s1;
	s0 =	sand.u32 $0x380, s0  }
0xaa: {  	s0 =	sor.u32 s0, s1  }
0xab: {  	s30 =	sadd.s32 s29, s11;
	s0 =	sor.u32 $0x2000, s0  }
0xac: {  	s2 =	simm.s32 $0x80;
	s20 =	sadd.s32 $0x0, s30;
	s1 =	sadd.s32 $0x400, s0  }
.LBB2_23:
0xad: {  	[hbm4b:s20+s4] =	stream.linear.scatter [tilespmem:s0], [sflag:$0x1], $0x80, $0x38;
	[tilespmem:$0x14000] =	vst v63  }
0xae: {  	s20 =	smov.u32 s2;
	s0 =	smov.u32 s1;
	p0 =	sne.s32 s2, $0xF80  }
.Ltmp10:
0xaf: {  	s2 =	sadd.s32 $0x80, s2;
	(pc) =	sbr.rel @p0 .LBB2_23-.Ltmp10, $2  }
0xb0: {  	_ =	sdelay $0x2  }
0xb1: {  	s1 =	sadd.s32 $0x400, s1;
	s20 =	sadd.s32 s20, s30  }
0xb2: {  	(v2sf) =	vpush v0, $0xB;
	_ =	sdelay $0xd  }
0xb3: {  	[hbm4b:s20+s4] =	stream.linear.scatter [tilespmem:s0], [sflag:$0x1], $0x80, $0x38;
	[tilespmem:$0x14000] =	vst v63  }
0xb4: {  	s31 =	spop (v2sf)  }
0xb5: {  	s1 =	sshll.u32 s31, $0xC;
	s0 =	sshll.u32 s31, $0x7  }
0xb6: {  	s1 =	sand.u32 $0xFFFF8000, s1;
	s0 =	sand.u32 $0x380, s0  }
0xb7: {  	s0 =	sor.u32 s0, s1  }
0xb8: {  	s30 =	sadd.s32 s29, s12;
	s0 =	sor.u32 $0x2000, s0  }
0xb9: {  	s2 =	simm.s32 $0x80;
	s20 =	sadd.s32 $0x0, s30;
	s1 =	sadd.s32 $0x400, s0  }
.LBB2_25:
0xba: {  	[hbm4b:s20+s4] =	stream.linear.scatter [tilespmem:s0], [sflag:$0x1], $0x80, $0x38;
	[tilespmem:$0x14000] =	vst v63  }
0xbb: {  	s20 =	smov.u32 s2;
	s0 =	smov.u32 s1;
	p0 =	sne.s32 s2, $0xF80  }
.Ltmp11:
0xbc: {  	s2 =	sadd.s32 $0x80, s2;
	(pc) =	sbr.rel @p0 .LBB2_25-.Ltmp11, $2  }
0xbd: {  	_ =	sdelay $0x2  }
0xbe: {  	s1 =	sadd.s32 $0x400, s1;
	s20 =	sadd.s32 s20, s30  }
0xbf: {  	(v2sf) =	vpush v0, $0xC;
	_ =	sdelay $0xd  }
0xc0: {  	[hbm4b:s20+s4] =	stream.linear.scatter [tilespmem:s0], [sflag:$0x1], $0x80, $0x38;
	[tilespmem:$0x14000] =	vst v63  }
0xc1: {  	s31 =	spop (v2sf)  }
0xc2: {  	s1 =	sshll.u32 s31, $0xC;
	s0 =	sshll.u32 s31, $0x7  }
0xc3: {  	s1 =	sand.u32 $0xFFFF8000, s1;
	s0 =	sand.u32 $0x380, s0  }
0xc4: {  	s0 =	sor.u32 s0, s1  }
0xc5: {  	s30 =	sadd.s32 s29, s13;
	s0 =	sor.u32 $0x2000, s0  }
0xc6: {  	s2 =	simm.s32 $0x80;
	s20 =	sadd.s32 $0x0, s30;
	s1 =	sadd.s32 $0x400, s0  }
.LBB2_27:
0xc7: {  	[hbm4b:s20+s4] =	stream.linear.scatter [tilespmem:s0], [sflag:$0x1], $0x80, $0x38;
	[tilespmem:$0x14000] =	vst v63  }
0xc8: {  	s20 =	smov.u32 s2;
	s0 =	smov.u32 s1;
	p0 =	sne.s32 s2, $0xF80  }
.Ltmp12:
0xc9: {  	s2 =	sadd.s32 $0x80, s2;
	(pc) =	sbr.rel @p0 .LBB2_27-.Ltmp12, $2  }
0xca: {  	_ =	sdelay $0x2  }
0xcb: {  	s1 =	sadd.s32 $0x400, s1;
	s20 =	sadd.s32 s20, s30  }
0xcc: {  	(v2sf) =	vpush v0, $0xD;
	_ =	sdelay $0xd  }
0xcd: {  	[hbm4b:s20+s4] =	stream.linear.scatter [tilespmem:s0], [sflag:$0x1], $0x80, $0x38;
	[tilespmem:$0x14000] =	vst v63  }
0xce: {  	s31 =	spop (v2sf)  }
0xcf: {  	s1 =	sshll.u32 s31, $0xC;
	s0 =	sshll.u32 s31, $0x7  }
0xd0: {  	s1 =	sand.u32 $0xFFFF8000, s1;
	s0 =	sand.u32 $0x380, s0  }
0xd1: {  	s0 =	sor.u32 s0, s1  }
0xd2: {  	s30 =	sadd.s32 s29, s14;
	s0 =	sor.u32 $0x2000, s0  }
0xd3: {  	s2 =	simm.s32 $0x80;
	s20 =	sadd.s32 $0x0, s30;
	s1 =	sadd.s32 $0x400, s0  }
.LBB2_29:
0xd4: {  	[hbm4b:s20+s4] =	stream.linear.scatter [tilespmem:s0], [sflag:$0x1], $0x80, $0x38;
	[tilespmem:$0x14000] =	vst v63  }
0xd5: {  	s20 =	smov.u32 s2;
	s0 =	smov.u32 s1;
	p0 =	sne.s32 s2, $0xF80  }
.Ltmp13:
0xd6: {  	s2 =	sadd.s32 $0x80, s2;
	(pc) =	sbr.rel @p0 .LBB2_29-.Ltmp13, $2  }
0xd7: {  	_ =	sdelay $0x2  }
0xd8: {  	s1 =	sadd.s32 $0x400, s1;
	s20 =	sadd.s32 s20, s30  }
0xd9: {  	(v2sf) =	vpush v0, $0xE;
	_ =	sdelay $0xd  }
0xda: {  	[hbm4b:s20+s4] =	stream.linear.scatter [tilespmem:s0], [sflag:$0x1], $0x80, $0x38;
	[tilespmem:$0x14000] =	vst v63  }
0xdb: {  	s31 =	spop (v2sf)  }
0xdc: {  	s1 =	sshll.u32 s31, $0xC;
	s0 =	sshll.u32 s31, $0x7  }
0xdd: {  	s1 =	sand.u32 $0xFFFF8000, s1;
	s0 =	sand.u32 $0x380, s0  }
0xde: {  	s0 =	sor.u32 s0, s1  }
0xdf: {  	s30 =	sadd.s32 s29, s15;
	s0 =	sor.u32 $0x2000, s0  }
0xe0: {  	s2 =	simm.s32 $0x80;
	s20 =	sadd.s32 $0x0, s30;
	s1 =	sadd.s32 $0x400, s0  }
.LBB2_31:
0xe1: {  	[hbm4b:s20+s4] =	stream.linear.scatter [tilespmem:s0], [sflag:$0x1], $0x80, $0x38;
	[tilespmem:$0x14000] =	vst v63  }
0xe2: {  	s20 =	smov.u32 s2;
	s0 =	smov.u32 s1;
	p0 =	sne.s32 s2, $0xF80  }
.Ltmp14:
0xe3: {  	s2 =	sadd.s32 $0x80, s2;
	(pc) =	sbr.rel @p0 .LBB2_31-.Ltmp14, $2  }
0xe4: {  	_ =	sdelay $0x2  }
0xe5: {  	s1 =	sadd.s32 $0x400, s1;
	s20 =	sadd.s32 s20, s30  }
0xe6: {  	(v2sf) =	vpush v0, $0xF;
	_ =	sdelay $0xd  }
0xe7: {  	[hbm4b:s20+s4] =	stream.linear.scatter [tilespmem:s0], [sflag:$0x1], $0x80, $0x38;
	[tilespmem:$0x14000] =	vst v63  }
0xe8: {  	s31 =	spop (v2sf)  }
0xe9: {  	s1 =	sshll.u32 s31, $0xC;
	s0 =	sshll.u32 s31, $0x7  }
0xea: {  	s1 =	sand.u32 $0xFFFF8000, s1;
	s0 =	sand.u32 $0x380, s0  }
0xeb: {  	s0 =	sor.u32 s0, s1  }
0xec: {  	s29 =	sadd.s32 s29, s16;
	s0 =	sor.u32 $0x2000, s0  }
0xed: {  	s2 =	simm.s32 $0x80;
	s20 =	sadd.s32 $0x0, s29;
	s1 =	sadd.s32 $0x400, s0  }
.LBB2_33:
0xee: {  	[hbm4b:s20+s4] =	stream.linear.scatter [tilespmem:s0], [sflag:$0x1], $0x80, $0x38;
	[tilespmem:$0x14000] =	vst v63  }
0xef: {  	s20 =	smov.u32 s2;
	s0 =	smov.u32 s1;
	p0 =	sne.s32 s2, $0xF80  }
.Ltmp15:
0xf0: {  	s2 =	sadd.s32 $0x80, s2;
	(pc) =	sbr.rel @p0 .LBB2_33-.Ltmp15, $2  }
0xf1: {  	_ =	sdelay $0x2  }
0xf2: {  	s1 =	sadd.s32 $0x400, s1;
	s20 =	sadd.s32 s20, s29  }
0xf3: {  	s28 =	sadd.s32 $0x1, s28  }
0xf4: {  	p0 =	sne.s32 s28, $0x40  }
.Ltmp16:
0xf5: {  	_ = 	snop;
	(pc) =	sbr.rel @p0 .LBB2_2-.Ltmp16, $2  }
0xf6: {  	_ =	sdelay $0x2  }
0xf7: {  	[hbm4b:s20+s4] =	stream.linear.scatter [tilespmem:s0], [sflag:$0x1], $0x80, $0x38;
	[tilespmem:$0x14000] =	vst v63  }
0xf8: {  	s26 =	sadd.s32 $0x1, s26  }
0xf9: {  	_ =	swait.ge [sflag:s24], $0x80000;
	p0 =	sne.s32 s26, s18  }
.Ltmp17:
0xfa: {  	[sflag:s24] =	ssyncset.done $0x0;
	(pc) =	sbr.rel @p0 .LBB2_1-.Ltmp17, $4  }
0xfb: {  	[sflag:s24] =	ssyncadd.s32 $0xFFF80000  }
0xfc: {  	_ =	swait.ge [sflag:s25], $0x2000  }
0xfd: {  	[sflag:s25] =	ssyncset.done $0x0  }
0xfe: {  	[sflag:s25] =	ssyncadd.s32 $0xFFFFE000  }
0xff: {  	_ =	sfence.sel $0x180000  }
0x100: {  	[bflag:$0x0] =	sbarrier.arrive $0xFFFF  }
0x101: {  	_ =	strace $0x90000047  }
0x102: {  	s0 =	stileid.u32;
	[bflag:$0x2] =	sbarrier.arrive $0xFFFF  }
0x103: {  	p0 =	sne.s32 s0, $0x0;
	s0 =	rddreg [dreg:$0x4]  }
0x104: {  	s0 =	sadd.s32 @!p0 $0x100000, s0  }
0x105: {  	[sflag:s0] =	ssyncadd.tile.s32 @!p0 $0x1;
	_ =	shalt  }
.Lfunc_end2:
_tile_overlayer_lowered:
.L_overlay_start_2:
0x106: {  	(tag) =	ssettag $0x2  }
0x107: {  	s0 =	rddreg [dreg:$0x0];
	s2 =	stileid.u32  }
0x108: {  	s1 =	rddreg [dreg:$0x1];
	p0 =	sne.s32 s2, $0x0  }
0x109: {  	s3 =	rddreg [dreg:$0x2];
	[bflag:$0x3] =	sbarrier.arrive $0xFFFF;
	s2 =	simm.s32 @!p0 $0x1C03  }
0x10a: {  	[timem:s3], [sflag:s2] =	dma.local @!p0 [hbm:s0], s1  }
0x10b: {  	s0 =	simm.s32 @!p0 $0x3  }
0x10c: {  	_ =	swait.ge @!p0 [sflag:s0], s1  }
0x10d: {  	s1 =	ssub.s32 @!p0 $0x0, s1;
	[sflag:s0] =	ssyncset.done @!p0 $0x0  }
0x10e: {  	[sflag:s0] =	ssyncadd.s32 @!p0 s1  }
0x10f: {  	[bflag:$0x3] =	sbarrier.arrive $0xFFFF  }
0x110: {  	_ =	shalt  }

</sc_bundles>
